<compile_context>
chip_gen: v7x
topology: tpu7x:2x2x1
jax: 0.10.2.dev20260603
libtpu: 0.0.44.dev20260713+nightly
codegen_flags: <defaults>
</compile_context>

<pallas_src>
import jax
import jax.numpy as jnp
from jax import lax
from jax.experimental import pallas as pl
from jax.experimental.pallas import tpu as pltpu
from jax.experimental.pallas import tpu_sc as plsc

_QR_RATIO = 64
_EMB_DIM = 64
_LANES = 16
_NC = 2
_NS = 16
_NW = _NC * _NS
_QROWS = 15627

_B = 16384 * 26
_PW = _B // _NW
_C = 416
_NCH = _PW // _C


def _body(x_hbm, embq_hbm, embr_hbm, out_hbm,
          spq, spr, idxall, qi0, qi1, ri0, ri1, rq0, rq1,
          semi, semq0, semq1, semr0, semr1, semo0, semo1):
    wid = lax.axis_index("s") * _NC + lax.axis_index("c")
    base_w = wid * _PW
    qi, ri, rq = [qi0, qi1], [ri0, ri1], [rq0, rq1]
    semq, semr, semo = [semq0, semq1], [semr0, semr1], [semo0, semo1]

    def out_copy(ch, b):
        return pltpu.make_async_copy(
            rq[b], out_hbm.at[pl.ds(base_w + ch * _C, _C)], semo[b])

    def q_copy(b):
        return pltpu.make_async_copy(spq.at[qi[b].at[0]], rq[b], semq[b])

    def r_copy(b):
        return pltpu.make_async_copy(spr.at[ri[b].at[0]], rq[b], semr[b])

    def compute_qr(ch, b):
        for i in range(_C // _LANES):
            v = idxall[pl.ds(ch * _C + i * _LANES, _LANES)]
            o = pl.ds(i * _LANES, _LANES)
            qi[b][0, o] = v >> 6
            ri[b][0, o] = v & (_QR_RATIO - 1)

    idx_cp = pltpu.make_async_copy(
        x_hbm.at[pl.ds(base_w, _PW)], idxall, semi)
    idx_cp.start()

    @pl.when(lax.axis_index("s") == 0)
    def _stage():
        pltpu.sync_copy(embq_hbm, spq)
        pltpu.sync_copy(embr_hbm, spr)
    plsc.subcore_barrier()

    idx_cp.wait()
    compute_qr(0, 0)
    q_copy(0).start()

    def iter_body(p, carry):
        for b in (0, 1):
            ch = p * 2 + b
            nb = 1 - b

            @pl.when(ch + 1 < _NCH)
            def _prep():
                compute_qr(ch + 1, nb)

                @pl.when(ch >= 1)
                def _wo():
                    out_copy(ch - 1, nb).wait()
                q_copy(nb).start()

            q_copy(b).wait()
            r_copy(b).start(add=True)
            r_copy(b).wait()
            out_copy(ch, b).start()
        return carry

    lax.fori_loop(0, _NCH // 2, iter_body, 0)
    out_copy(_NCH - 2, 0).wait()
    out_copy(_NCH - 1, 1).wait()


@jax.jit
def _qr_embed(x_flat, embedding_q, embedding_r):
    mesh = plsc.VectorSubcoreMesh(
        core_axis_name="c", subcore_axis_name="s",
        num_cores=_NC, num_subcores=_NS)
    return pl.kernel(
        _body,
        out_type=jax.ShapeDtypeStruct((_B, _EMB_DIM), jnp.float32),
        mesh=mesh,
        scratch_types=[
            pltpu.VMEM_SHARED((_QROWS, _EMB_DIM), jnp.float32),
            pltpu.VMEM_SHARED((_QR_RATIO, _EMB_DIM), jnp.float32),
            pltpu.VMEM((_PW,), jnp.int32),
            pltpu.VMEM((1, _C), jnp.int32),
            pltpu.VMEM((1, _C), jnp.int32),
            pltpu.VMEM((1, _C), jnp.int32),
            pltpu.VMEM((1, _C), jnp.int32),
            pltpu.VMEM((_C, _EMB_DIM), jnp.float32),
            pltpu.VMEM((_C, _EMB_DIM), jnp.float32),
            pltpu.SemaphoreType.DMA,
            pltpu.SemaphoreType.DMA,
            pltpu.SemaphoreType.DMA,
            pltpu.SemaphoreType.DMA,
            pltpu.SemaphoreType.DMA,
            pltpu.SemaphoreType.DMA,
            pltpu.SemaphoreType.DMA,
        ],
        compiler_params=pltpu.CompilerParams(
            use_tc_tiling_on_sc=False, needs_layout_passes=False),
    )(x_flat, embedding_q, embedding_r)


def kernel(x, embedding_q, embedding_r):
    b, f = x.shape
    x_flat = x.reshape(-1).astype(jnp.int32)
    out = _qr_embed(x_flat, embedding_q, embedding_r)
    return out.reshape(b, f, _EMB_DIM)

# --- scband reference (transcript-rebuilt; emitter-appended) ---
"""Pipeline reference for scband-qr-embedding-73426760892784 (READ-ONLY COPY).

The authoritative reference and input builder live on the scoring server;
editing this copy changes nothing except your own understanding.
"""

import jax, jax.numpy as jnp
import numpy as np

FEATURE_NUM = 1000000
EMB_DIM = 64
QR_RATIO = 64
Q_ROWS = int(FEATURE_NUM / QR_RATIO) + 2  # 15627


def setup_inputs(seed: int = 0) -> dict:
    key = jax.random.key(seed)
    k1, k2, k3 = jax.random.split(key, 3)
    x = jax.random.randint(k1, (16384, 26), 0, FEATURE_NUM, dtype=jnp.int64)
    embedding_q = jax.random.normal(k2, (Q_ROWS, EMB_DIM), dtype=jnp.float32) * 0.003
    embedding_r = jax.random.normal(k3, (QR_RATIO, EMB_DIM), dtype=jnp.float32) * 0.003
    return {"x": x, "embedding_q": embedding_q, "embedding_r": embedding_r}


def reference(x, embedding_q, embedding_r):
    # torch: (x / qr_ratio).long() == floor-div for non-negative ints
    x_q = (x // QR_RATIO).astype(jnp.int32)
    x_r = jnp.remainder(x, QR_RATIO).astype(jnp.int32)
    embed_q = jnp.take(embedding_q, x_q, axis=0)
    embed_r = jnp.take(embedding_r, x_r, axis=0)
    return embed_q + embed_r

if __name__ == "__main__":
    import jax
    _d = setup_inputs()
    print(jax.jit(kernel)(*tuple(_d.values())))

</pallas_src>

<mosaic_0001>
#map = affine_map<(d0, d1) -> (0)>
#map1 = affine_map<(d0, d1) -> (0, 0)>
module attributes {stable_mosaic.version = 14 : i64} {
  func.func @_body(%arg0: i32, %arg1: i32, %arg2: memref<425984xi32, #tpu.memory_space<hbm>>, %arg3: memref<15627x64xf32, #tpu.memory_space<hbm>>, %arg4: memref<64x64xf32, #tpu.memory_space<hbm>>, %arg5: memref<425984x64xf32, #tpu.memory_space<hbm>>, %arg6: memref<15627x64xf32, #tpu.memory_space<vmem_shared>>, %arg7: memref<64x64xf32, #tpu.memory_space<vmem_shared>>, %arg8: memref<13312xi32, #tpu.memory_space<vmem>>, %arg9: memref<1x416xi32, #tpu.memory_space<vmem>>, %arg10: memref<1x416xi32, #tpu.memory_space<vmem>>, %arg11: memref<1x416xi32, #tpu.memory_space<vmem>>, %arg12: memref<1x416xi32, #tpu.memory_space<vmem>>, %arg13: memref<416x64xf32, #tpu.memory_space<vmem>>, %arg14: memref<416x64xf32, #tpu.memory_space<vmem>>, %arg15: memref<!tpu.dma_semaphore, #tpu.memory_space<semaphore_mem>>, %arg16: memref<!tpu.dma_semaphore, #tpu.memory_space<semaphore_mem>>, %arg17: memref<!tpu.dma_semaphore, #tpu.memory_space<semaphore_mem>>, %arg18: memref<!tpu.dma_semaphore, #tpu.memory_space<semaphore_mem>>, %arg19: memref<!tpu.dma_semaphore, #tpu.memory_space<semaphore_mem>>, %arg20: memref<!tpu.dma_semaphore, #tpu.memory_space<semaphore_mem>>, %arg21: memref<!tpu.dma_semaphore, #tpu.memory_space<semaphore_mem>>) attributes {dimension_semantics = [#tpu.dimension_semantics<core_parallel>, #tpu.dimension_semantics<subcore_parallel>], iteration_bounds = array<i64: 2, 16>, scalar_prefetch = 0 : i64, scratch_operands = 16 : i64, tpu.core_type = #tpu.core_type<sc_vector_subcore>, window_params = [{transform_indices = #map}, {transform_indices = #map1}, {transform_indices = #map1}, {transform_indices = #map1}]} {
    %mul3A = arith.constant 2 : i32
    %mul3A_0 = arith.muli %arg1, %mul3A : i32
    %add3A = arith.addi %mul3A_0, %arg0 : i32
    %mul3A_1 = arith.constant 13312 : i32
    %mul3A_2 = arith.muli %add3A, %mul3A_1 : i32
    %dma_start3A = tpu.memref_slice %arg2[%mul3A_2] : memref<425984xi32, #tpu.memory_space<hbm>> -> memref<13312xi32, #tpu.memory_space<hbm>>
    %dma_start3A_3 = tpu.memref_slice %arg2[%mul3A_2] : memref<425984xi32, #tpu.memory_space<hbm>> -> memref<13312xi32, #tpu.memory_space<hbm>>
    tpu.enqueue_dma source(%dma_start3A_3 : memref<13312xi32, #tpu.memory_space<hbm>>) target(%arg8 : memref<13312xi32, #tpu.memory_space<vmem>>) target_semaphore(%arg15 : memref<!tpu.dma_semaphore, #tpu.memory_space<semaphore_mem>>)
    %eq3A = arith.constant 0 : i32
    %eq3A_4 = arith.cmpi eq, %arg1, %eq3A : i32
    %convert_element_type3A = arith.extui %eq3A_4 : i1 to i32
    %cond3A = arith.constant 0 : i32
    %cond3A_5 = arith.cmpi ne, %convert_element_type3A, %cond3A : i32
    scf.if %cond3A_5 {
      "tpu.region"() ({
        %run_scoped3A = tpu.sem_alloc : memref<!tpu.dma_semaphore, #tpu.memory_space<semaphore_mem>>
        tpu.enqueue_dma source(%arg3 : memref<15627x64xf32, #tpu.memory_space<hbm>>) target(%arg6 : memref<15627x64xf32, #tpu.memory_space<vmem_shared>>) target_semaphore(%run_scoped3A : memref<!tpu.dma_semaphore, #tpu.memory_space<semaphore_mem>>)
        tpu.wait_dma2 semaphore(%run_scoped3A : memref<!tpu.dma_semaphore, #tpu.memory_space<semaphore_mem>>) src(%arg3 : memref<15627x64xf32, #tpu.memory_space<hbm>>) dst(%arg6 : memref<15627x64xf32, #tpu.memory_space<vmem_shared>>)
        tpu.yield
      }) : () -> ()
      "tpu.region"() ({
        %run_scoped3A = tpu.sem_alloc : memref<!tpu.dma_semaphore, #tpu.memory_space<semaphore_mem>>
        tpu.enqueue_dma source(%arg4 : memref<64x64xf32, #tpu.memory_space<hbm>>) target(%arg7 : memref<64x64xf32, #tpu.memory_space<vmem_shared>>) target_semaphore(%run_scoped3A : memref<!tpu.dma_semaphore, #tpu.memory_space<semaphore_mem>>)
        tpu.wait_dma2 semaphore(%run_scoped3A : memref<!tpu.dma_semaphore, #tpu.memory_space<semaphore_mem>>) src(%arg4 : memref<64x64xf32, #tpu.memory_space<hbm>>) dst(%arg7 : memref<64x64xf32, #tpu.memory_space<vmem_shared>>)
        tpu.yield
      }) : () -> ()
    } else {
    }
    %barrier3A = arith.constant 0 : index
    tpu.barrier barrier_id(%barrier3A)
    %dma_wait3A = tpu.memref_slice %arg2[%mul3A_2] : memref<425984xi32, #tpu.memory_space<hbm>> -> memref<13312xi32, #tpu.memory_space<hbm>>
    %dma_wait3A_6 = tpu.memref_slice %arg2[%mul3A_2] : memref<425984xi32, #tpu.memory_space<hbm>> -> memref<13312xi32, #tpu.memory_space<hbm>>
    tpu.wait_dma2 semaphore(%arg15 : memref<!tpu.dma_semaphore, #tpu.memory_space<semaphore_mem>>) src(%dma_wait3A_6 : memref<13312xi32, #tpu.memory_space<hbm>>) dst(%arg8 : memref<13312xi32, #tpu.memory_space<vmem>>)
    %get3A = arith.constant 0 : index
    %get3A_7 = tpu.vector_load %arg8[%get3A] {strides = array<i32>} : memref<13312xi32, #tpu.memory_space<vmem>>, vector<16xi32>,
    %shift_right_arithmetic3A = arith.constant 6 : i32
    %shift_right_arithmetic3A_8 = vector.broadcast %shift_right_arithmetic3A : i32 to vector<16xi32>
    %shift_right_arithmetic3A_9 = arith.shrsi %get3A_7, %shift_right_arithmetic3A_8 : vector<16xi32>
    %swap3A = arith.constant 0 : i32
    %swap3A_10 = arith.index_cast %swap3A : i32 to index
    %swap3A_11 = arith.constant 0 : index
    %swap3A_12 = tpu.vector_load %arg9[%swap3A_10, %swap3A_11] {strides = array<i32>} : memref<1x416xi32, #tpu.memory_space<vmem>>, vector<16xi32>,
    tpu.vector_store %arg9[%swap3A_10, %swap3A_11], %shift_right_arithmetic3A_9 {strides = array<i32>} : memref<1x416xi32, #tpu.memory_space<vmem>>, vector<16xi32>,
    %and3A = arith.constant 63 : i32
    %and3A_13 = vector.broadcast %and3A : i32 to vector<16xi32>
    %and3A_14 = arith.andi %get3A_7, %and3A_13 : vector<16xi32>
    %swap3A_15 = arith.constant 0 : i32
    %swap3A_16 = arith.index_cast %swap3A_15 : i32 to index
    %swap3A_17 = arith.constant 0 : index
    %swap3A_18 = tpu.vector_load %arg11[%swap3A_16, %swap3A_17] {strides = array<i32>} : memref<1x416xi32, #tpu.memory_space<vmem>>, vector<16xi32>,
    tpu.vector_store %arg11[%swap3A_16, %swap3A_17], %and3A_14 {strides = array<i32>} : memref<1x416xi32, #tpu.memory_space<vmem>>, vector<16xi32>,
    %get3A_19 = arith.constant 16 : index
    %get3A_20 = tpu.vector_load %arg8[%get3A_19] {strides = array<i32>} : memref<13312xi32, #tpu.memory_space<vmem>>, vector<16xi32>,
    %shift_right_arithmetic3A_21 = arith.constant 6 : i32
    %shift_right_arithmetic3A_22 = vector.broadcast %shift_right_arithmetic3A_21 : i32 to vector<16xi32>
    %shift_right_arithmetic3A_23 = arith.shrsi %get3A_20, %shift_right_arithmetic3A_22 : vector<16xi32>
    %swap3A_24 = arith.constant 0 : i32
    %swap3A_25 = arith.index_cast %swap3A_24 : i32 to index
    %swap3A_26 = arith.constant 16 : index
    %swap3A_27 = tpu.vector_load %arg9[%swap3A_25, %swap3A_26] {strides = array<i32>} : memref<1x416xi32, #tpu.memory_space<vmem>>, vector<16xi32>,
    tpu.vector_store %arg9[%swap3A_25, %swap3A_26], %shift_right_arithmetic3A_23 {strides = array<i32>} : memref<1x416xi32, #tpu.memory_space<vmem>>, vector<16xi32>,
    %and3A_28 = arith.constant 63 : i32
    %and3A_29 = vector.broadcast %and3A_28 : i32 to vector<16xi32>
    %and3A_30 = arith.andi %get3A_20, %and3A_29 : vector<16xi32>
    %swap3A_31 = arith.constant 0 : i32
    %swap3A_32 = arith.index_cast %swap3A_31 : i32 to index
    %swap3A_33 = arith.constant 16 : index
    %swap3A_34 = tpu.vector_load %arg11[%swap3A_32, %swap3A_33] {strides = array<i32>} : memref<1x416xi32, #tpu.memory_space<vmem>>, vector<16xi32>,
    tpu.vector_store %arg11[%swap3A_32, %swap3A_33], %and3A_30 {strides = array<i32>} : memref<1x416xi32, #tpu.memory_space<vmem>>, vector<16xi32>,
    %get3A_35 = arith.constant 32 : index
    %get3A_36 = tpu.vector_load %arg8[%get3A_35] {strides = array<i32>} : memref<13312xi32, #tpu.memory_space<vmem>>, vector<16xi32>,
    %shift_right_arithmetic3A_37 = arith.constant 6 : i32
    %shift_right_arithmetic3A_38 = vector.broadcast %shift_right_arithmetic3A_37 : i32 to vector<16xi32>
    %shift_right_arithmetic3A_39 = arith.shrsi %get3A_36, %shift_right_arithmetic3A_38 : vector<16xi32>
    %swap3A_40 = arith.constant 0 : i32
    %swap3A_41 = arith.index_cast %swap3A_40 : i32 to index
    %swap3A_42 = arith.constant 32 : index
    %swap3A_43 = tpu.vector_load %arg9[%swap3A_41, %swap3A_42] {strides = array<i32>} : memref<1x416xi32, #tpu.memory_space<vmem>>, vector<16xi32>,
    tpu.vector_store %arg9[%swap3A_41, %swap3A_42], %shift_right_arithmetic3A_39 {strides = array<i32>} : memref<1x416xi32, #tpu.memory_space<vmem>>, vector<16xi32>,
    %and3A_44 = arith.constant 63 : i32
    %and3A_45 = vector.broadcast %and3A_44 : i32 to vector<16xi32>
    %and3A_46 = arith.andi %get3A_36, %and3A_45 : vector<16xi32>
    %swap3A_47 = arith.constant 0 : i32
    %swap3A_48 = arith.index_cast %swap3A_47 : i32 to index
    %swap3A_49 = arith.constant 32 : index
    %swap3A_50 = tpu.vector_load %arg11[%swap3A_48, %swap3A_49] {strides = array<i32>} : memref<1x416xi32, #tpu.memory_space<vmem>>, vector<16xi32>,
    tpu.vector_store %arg11[%swap3A_48, %swap3A_49], %and3A_46 {strides = array<i32>} : memref<1x416xi32, #tpu.memory_space<vmem>>, vector<16xi32>,
    %get3A_51 = arith.constant 48 : index
    %get3A_52 = tpu.vector_load %arg8[%get3A_51] {strides = array<i32>} : memref<13312xi32, #tpu.memory_space<vmem>>, vector<16xi32>,
    %shift_right_arithmetic3A_53 = arith.constant 6 : i32
    %shift_right_arithmetic3A_54 = vector.broadcast %shift_right_arithmetic3A_53 : i32 to vector<16xi32>
    %shift_right_arithmetic3A_55 = arith.shrsi %get3A_52, %shift_right_arithmetic3A_54 : vector<16xi32>
    %swap3A_56 = arith.constant 0 : i32
    %swap3A_57 = arith.index_cast %swap3A_56 : i32 to index
    %swap3A_58 = arith.constant 48 : index
    %swap3A_59 = tpu.vector_load %arg9[%swap3A_57, %swap3A_58] {strides = array<i32>} : memref<1x416xi32, #tpu.memory_space<vmem>>, vector<16xi32>,
    tpu.vector_store %arg9[%swap3A_57, %swap3A_58], %shift_right_arithmetic3A_55 {strides = array<i32>} : memref<1x416xi32, #tpu.memory_space<vmem>>, vector<16xi32>,
    %and3A_60 = arith.constant 63 : i32
    %and3A_61 = vector.broadcast %and3A_60 : i32 to vector<16xi32>
    %and3A_62 = arith.andi %get3A_52, %and3A_61 : vector<16xi32>
    %swap3A_63 = arith.constant 0 : i32
    %swap3A_64 = arith.index_cast %swap3A_63 : i32 to index
    %swap3A_65 = arith.constant 48 : index
    %swap3A_66 = tpu.vector_load %arg11[%swap3A_64, %swap3A_65] {strides = array<i32>} : memref<1x416xi32, #tpu.memory_space<vmem>>, vector<16xi32>,
    tpu.vector_store %arg11[%swap3A_64, %swap3A_65], %and3A_62 {strides = array<i32>} : memref<1x416xi32, #tpu.memory_space<vmem>>, vector<16xi32>,
    %get3A_67 = arith.constant 64 : index
    %get3A_68 = tpu.vector_load %arg8[%get3A_67] {strides = array<i32>} : memref<13312xi32, #tpu.memory_space<vmem>>, vector<16xi32>,
    %shift_right_arithmetic3A_69 = arith.constant 6 : i32
    %shift_right_arithmetic3A_70 = vector.broadcast %shift_right_arithmetic3A_69 : i32 to vector<16xi32>
    %shift_right_arithmetic3A_71 = arith.shrsi %get3A_68, %shift_right_arithmetic3A_70 : vector<16xi32>
    %swap3A_72 = arith.constant 0 : i32
    %swap3A_73 = arith.index_cast %swap3A_72 : i32 to index
    %swap3A_74 = arith.constant 64 : index
    %swap3A_75 = tpu.vector_load %arg9[%swap3A_73, %swap3A_74] {strides = array<i32>} : memref<1x416xi32, #tpu.memory_space<vmem>>, vector<16xi32>,
    tpu.vector_store %arg9[%swap3A_73, %swap3A_74], %shift_right_arithmetic3A_71 {strides = array<i32>} : memref<1x416xi32, #tpu.memory_space<vmem>>, vector<16xi32>,
    %and3A_76 = arith.constant 63 : i32
    %and3A_77 = vector.broadcast %and3A_76 : i32 to vector<16xi32>
    %and3A_78 = arith.andi %get3A_68, %and3A_77 : vector<16xi32>
    %swap3A_79 = arith.constant 0 : i32
    %swap3A_80 = arith.index_cast %swap3A_79 : i32 to index
    %swap3A_81 = arith.constant 64 : index
    %swap3A_82 = tpu.vector_load %arg11[%swap3A_80, %swap3A_81] {strides = array<i32>} : memref<1x416xi32, #tpu.memory_space<vmem>>, vector<16xi32>,
    tpu.vector_store %arg11[%swap3A_80, %swap3A_81], %and3A_78 {strides = array<i32>} : memref<1x416xi32, #tpu.memory_space<vmem>>, vector<16xi32>,
    %get3A_83 = arith.constant 80 : index
    %get3A_84 = tpu.vector_load %arg8[%get3A_83] {strides = array<i32>} : memref<13312xi32, #tpu.memory_space<vmem>>, vector<16xi32>,
    %shift_right_arithmetic3A_85 = arith.constant 6 : i32
    %shift_right_arithmetic3A_86 = vector.broadcast %shift_right_arithmetic3A_85 : i32 to vector<16xi32>
    %shift_right_arithmetic3A_87 = arith.shrsi %get3A_84, %shift_right_arithmetic3A_86 : vector<16xi32>
    %swap3A_88 = arith.constant 0 : i32
    %swap3A_89 = arith.index_cast %swap3A_88 : i32 to index
    %swap3A_90 = arith.constant 80 : index
    %swap3A_91 = tpu.vector_load %arg9[%swap3A_89, %swap3A_90] {strides = array<i32>} : memref<1x416xi32, #tpu.memory_space<vmem>>, vector<16xi32>,
    tpu.vector_store %arg9[%swap3A_89, %swap3A_90], %shift_right_arithmetic3A_87 {strides = array<i32>} : memref<1x416xi32, #tpu.memory_space<vmem>>, vector<16xi32>,
    %and3A_92 = arith.constant 63 : i32
    %and3A_93 = vector.broadcast %and3A_92 : i32 to vector<16xi32>
    %and3A_94 = arith.andi %get3A_84, %and3A_93 : vector<16xi32>
    %swap3A_95 = arith.constant 0 : i32
    %swap3A_96 = arith.index_cast %swap3A_95 : i32 to index
    %swap3A_97 = arith.constant 80 : index
    %swap3A_98 = tpu.vector_load %arg11[%swap3A_96, %swap3A_97] {strides = array<i32>} : memref<1x416xi32, #tpu.memory_space<vmem>>, vector<16xi32>,
    tpu.vector_store %arg11[%swap3A_96, %swap3A_97], %and3A_94 {strides = array<i32>} : memref<1x416xi32, #tpu.memory_space<vmem>>, vector<16xi32>,
    %get3A_99 = arith.constant 96 : index
    %get3A_100 = tpu.vector_load %arg8[%get3A_99] {strides = array<i32>} : memref<13312xi32, #tpu.memory_space<vmem>>, vector<16xi32>,
    %shift_right_arithmetic3A_101 = arith.constant 6 : i32
    %shift_right_arithmetic3A_102 = vector.broadcast %shift_right_arithmetic3A_101 : i32 to vector<16xi32>
    %shift_right_arithmetic3A_103 = arith.shrsi %get3A_100, %shift_right_arithmetic3A_102 : vector<16xi32>
    %swap3A_104 = arith.constant 0 : i32
    %swap3A_105 = arith.index_cast %swap3A_104 : i32 to index
    %swap3A_106 = arith.constant 96 : index
    %swap3A_107 = tpu.vector_load %arg9[%swap3A_105, %swap3A_106] {strides = array<i32>} : memref<1x416xi32, #tpu.memory_space<vmem>>, vector<16xi32>,
    tpu.vector_store %arg9[%swap3A_105, %swap3A_106], %shift_right_arithmetic3A_103 {strides = array<i32>} : memref<1x416xi32, #tpu.memory_space<vmem>>, vector<16xi32>,
    %and3A_108 = arith.constant 63 : i32
    %and3A_109 = vector.broadcast %and3A_108 : i32 to vector<16xi32>
    %and3A_110 = arith.andi %get3A_100, %and3A_109 : vector<16xi32>
    %swap3A_111 = arith.constant 0 : i32
    %swap3A_112 = arith.index_cast %swap3A_111 : i32 to index
    %swap3A_113 = arith.constant 96 : index
    %swap3A_114 = tpu.vector_load %arg11[%swap3A_112, %swap3A_113] {strides = array<i32>} : memref<1x416xi32, #tpu.memory_space<vmem>>, vector<16xi32>,
    tpu.vector_store %arg11[%swap3A_112, %swap3A_113], %and3A_110 {strides = array<i32>} : memref<1x416xi32, #tpu.memory_space<vmem>>, vector<16xi32>,
    %get3A_115 = arith.constant 112 : index
    %get3A_116 = tpu.vector_load %arg8[%get3A_115] {strides = array<i32>} : memref<13312xi32, #tpu.memory_space<vmem>>, vector<16xi32>,
    %shift_right_arithmetic3A_117 = arith.constant 6 : i32
    %shift_right_arithmetic3A_118 = vector.broadcast %shift_right_arithmetic3A_117 : i32 to vector<16xi32>
    %shift_right_arithmetic3A_119 = arith.shrsi %get3A_116, %shift_right_arithmetic3A_118 : vector<16xi32>
    %swap3A_120 = arith.constant 0 : i32
    %swap3A_121 = arith.index_cast %swap3A_120 : i32 to index
    %swap3A_122 = arith.constant 112 : index
    %swap3A_123 = tpu.vector_load %arg9[%swap3A_121, %swap3A_122] {strides = array<i32>} : memref<1x416xi32, #tpu.memory_space<vmem>>, vector<16xi32>,
    tpu.vector_store %arg9[%swap3A_121, %swap3A_122], %shift_right_arithmetic3A_119 {strides = array<i32>} : memref<1x416xi32, #tpu.memory_space<vmem>>, vector<16xi32>,
    %and3A_124 = arith.constant 63 : i32
    %and3A_125 = vector.broadcast %and3A_124 : i32 to vector<16xi32>
    %and3A_126 = arith.andi %get3A_116, %and3A_125 : vector<16xi32>
    %swap3A_127 = arith.constant 0 : i32
    %swap3A_128 = arith.index_cast %swap3A_127 : i32 to index
    %swap3A_129 = arith.constant 112 : index
    %swap3A_130 = tpu.vector_load %arg11[%swap3A_128, %swap3A_129] {strides = array<i32>} : memref<1x416xi32, #tpu.memory_space<vmem>>, vector<16xi32>,
    tpu.vector_store %arg11[%swap3A_128, %swap3A_129], %and3A_126 {strides = array<i32>} : memref<1x416xi32, #tpu.memory_space<vmem>>, vector<16xi32>,
    %get3A_131 = arith.constant 128 : index
    %get3A_132 = tpu.vector_load %arg8[%get3A_131] {strides = array<i32>} : memref<13312xi32, #tpu.memory_space<vmem>>, vector<16xi32>,
    %shift_right_arithmetic3A_133 = arith.constant 6 : i32
    %shift_right_arithmetic3A_134 = vector.broadcast %shift_right_arithmetic3A_133 : i32 to vector<16xi32>
    %shift_right_arithmetic3A_135 = arith.shrsi %get3A_132, %shift_right_arithmetic3A_134 : vector<16xi32>
    %swap3A_136 = arith.constant 0 : i32
    %swap3A_137 = arith.index_cast %swap3A_136 : i32 to index
    %swap3A_138 = arith.constant 128 : index
    %swap3A_139 = tpu.vector_load %arg9[%swap3A_137, %swap3A_138] {strides = array<i32>} : memref<1x416xi32, #tpu.memory_space<vmem>>, vector<16xi32>,
    tpu.vector_store %arg9[%swap3A_137, %swap3A_138], %shift_right_arithmetic3A_135 {strides = array<i32>} : memref<1x416xi32, #tpu.memory_space<vmem>>, vector<16xi32>,
    %and3A_140 = arith.constant 63 : i32
    %and3A_141 = vector.broadcast %and3A_140 : i32 to vector<16xi32>
    %and3A_142 = arith.andi %get3A_132, %and3A_141 : vector<16xi32>
    %swap3A_143 = arith.constant 0 : i32
    %swap3A_144 = arith.index_cast %swap3A_143 : i32 to index
    %swap3A_145 = arith.constant 128 : index
    %swap3A_146 = tpu.vector_load %arg11[%swap3A_144, %swap3A_145] {strides = array<i32>} : memref<1x416xi32, #tpu.memory_space<vmem>>, vector<16xi32>,
    tpu.vector_store %arg11[%swap3A_144, %swap3A_145], %and3A_142 {strides = array<i32>} : memref<1x416xi32, #tpu.memory_space<vmem>>, vector<16xi32>,
    %get3A_147 = arith.constant 144 : index
    %get3A_148 = tpu.vector_load %arg8[%get3A_147] {strides = array<i32>} : memref<13312xi32, #tpu.memory_space<vmem>>, vector<16xi32>,
    %shift_right_arithmetic3A_149 = arith.constant 6 : i32
    %shift_right_arithmetic3A_150 = vector.broadcast %shift_right_arithmetic3A_149 : i32 to vector<16xi32>
    %shift_right_arithmetic3A_151 = arith.shrsi %get3A_148, %shift_right_arithmetic3A_150 : vector<16xi32>
    %swap3A_152 = arith.constant 0 : i32
    %swap3A_153 = arith.index_cast %swap3A_152 : i32 to index
    %swap3A_154 = arith.constant 144 : index
    %swap3A_155 = tpu.vector_load %arg9[%swap3A_153, %swap3A_154] {strides = array<i32>} : memref<1x416xi32, #tpu.memory_space<vmem>>, vector<16xi32>,
    tpu.vector_store %arg9[%swap3A_153, %swap3A_154], %shift_right_arithmetic3A_151 {strides = array<i32>} : memref<1x416xi32, #tpu.memory_space<vmem>>, vector<16xi32>,
    %and3A_156 = arith.constant 63 : i32
    %and3A_157 = vector.broadcast %and3A_156 : i32 to vector<16xi32>
    %and3A_158 = arith.andi %get3A_148, %and3A_157 : vector<16xi32>
    %swap3A_159 = arith.constant 0 : i32
    %swap3A_160 = arith.index_cast %swap3A_159 : i32 to index
    %swap3A_161 = arith.constant 144 : index
    %swap3A_162 = tpu.vector_load %arg11[%swap3A_160, %swap3A_161] {strides = array<i32>} : memref<1x416xi32, #tpu.memory_space<vmem>>, vector<16xi32>,
    tpu.vector_store %arg11[%swap3A_160, %swap3A_161], %and3A_158 {strides = array<i32>} : memref<1x416xi32, #tpu.memory_space<vmem>>, vector<16xi32>,
    %get3A_163 = arith.constant 160 : index
    %get3A_164 = tpu.vector_load %arg8[%get3A_163] {strides = array<i32>} : memref<13312xi32, #tpu.memory_space<vmem>>, vector<16xi32>,
    %shift_right_arithmetic3A_165 = arith.constant 6 : i32
    %shift_right_arithmetic3A_166 = vector.broadcast %shift_right_arithmetic3A_165 : i32 to vector<16xi32>
    %shift_right_arithmetic3A_167 = arith.shrsi %get3A_164, %shift_right_arithmetic3A_166 : vector<16xi32>
    %swap3A_168 = arith.constant 0 : i32
    %swap3A_169 = arith.index_cast %swap3A_168 : i32 to index
    %swap3A_170 = arith.constant 160 : index
    %swap3A_171 = tpu.vector_load %arg9[%swap3A_169, %swap3A_170] {strides = array<i32>} : memref<1x416xi32, #tpu.memory_space<vmem>>, vector<16xi32>,
    tpu.vector_store %arg9[%swap3A_169, %swap3A_170], %shift_right_arithmetic3A_167 {strides = array<i32>} : memref<1x416xi32, #tpu.memory_space<vmem>>, vector<16xi32>,
    %and3A_172 = arith.constant 63 : i32
    %and3A_173 = vector.broadcast %and3A_172 : i32 to vector<16xi32>
    %and3A_174 = arith.andi %get3A_164, %and3A_173 : vector<16xi32>
    %swap3A_175 = arith.constant 0 : i32
    %swap3A_176 = arith.index_cast %swap3A_175 : i32 to index
    %swap3A_177 = arith.constant 160 : index
    %swap3A_178 = tpu.vector_load %arg11[%swap3A_176, %swap3A_177] {strides = array<i32>} : memref<1x416xi32, #tpu.memory_space<vmem>>, vector<16xi32>,
    tpu.vector_store %arg11[%swap3A_176, %swap3A_177], %and3A_174 {strides = array<i32>} : memref<1x416xi32, #tpu.memory_space<vmem>>, vector<16xi32>,
    %get3A_179 = arith.constant 176 : index
    %get3A_180 = tpu.vector_load %arg8[%get3A_179] {strides = array<i32>} : memref<13312xi32, #tpu.memory_space<vmem>>, vector<16xi32>,
    %shift_right_arithmetic3A_181 = arith.constant 6 : i32
    %shift_right_arithmetic3A_182 = vector.broadcast %shift_right_arithmetic3A_181 : i32 to vector<16xi32>
    %shift_right_arithmetic3A_183 = arith.shrsi %get3A_180, %shift_right_arithmetic3A_182 : vector<16xi32>
    %swap3A_184 = arith.constant 0 : i32
    %swap3A_185 = arith.index_cast %swap3A_184 : i32 to index
    %swap3A_186 = arith.constant 176 : index
    %swap3A_187 = tpu.vector_load %arg9[%swap3A_185, %swap3A_186] {strides = array<i32>} : memref<1x416xi32, #tpu.memory_space<vmem>>, vector<16xi32>,
    tpu.vector_store %arg9[%swap3A_185, %swap3A_186], %shift_right_arithmetic3A_183 {strides = array<i32>} : memref<1x416xi32, #tpu.memory_space<vmem>>, vector<16xi32>,
    %and3A_188 = arith.constant 63 : i32
    %and3A_189 = vector.broadcast %and3A_188 : i32 to vector<16xi32>
    %and3A_190 = arith.andi %get3A_180, %and3A_189 : vector<16xi32>
    %swap3A_191 = arith.constant 0 : i32
    %swap3A_192 = arith.index_cast %swap3A_191 : i32 to index
    %swap3A_193 = arith.constant 176 : index
    %swap3A_194 = tpu.vector_load %arg11[%swap3A_192, %swap3A_193] {strides = array<i32>} : memref<1x416xi32, #tpu.memory_space<vmem>>, vector<16xi32>,
    tpu.vector_store %arg11[%swap3A_192, %swap3A_193], %and3A_190 {strides = array<i32>} : memref<1x416xi32, #tpu.memory_space<vmem>>, vector<16xi32>,
    %get3A_195 = arith.constant 192 : index
    %get3A_196 = tpu.vector_load %arg8[%get3A_195] {strides = array<i32>} : memref<13312xi32, #tpu.memory_space<vmem>>, vector<16xi32>,
    %shift_right_arithmetic3A_197 = arith.constant 6 : i32
    %shift_right_arithmetic3A_198 = vector.broadcast %shift_right_arithmetic3A_197 : i32 to vector<16xi32>
    %shift_right_arithmetic3A_199 = arith.shrsi %get3A_196, %shift_right_arithmetic3A_198 : vector<16xi32>
    %swap3A_200 = arith.constant 0 : i32
    %swap3A_201 = arith.index_cast %swap3A_200 : i32 to index
    %swap3A_202 = arith.constant 192 : index
    %swap3A_203 = tpu.vector_load %arg9[%swap3A_201, %swap3A_202] {strides = array<i32>} : memref<1x416xi32, #tpu.memory_space<vmem>>, vector<16xi32>,
    tpu.vector_store %arg9[%swap3A_201, %swap3A_202], %shift_right_arithmetic3A_199 {strides = array<i32>} : memref<1x416xi32, #tpu.memory_space<vmem>>, vector<16xi32>,
    %and3A_204 = arith.constant 63 : i32
    %and3A_205 = vector.broadcast %and3A_204 : i32 to vector<16xi32>
    %and3A_206 = arith.andi %get3A_196, %and3A_205 : vector<16xi32>
    %swap3A_207 = arith.constant 0 : i32
    %swap3A_208 = arith.index_cast %swap3A_207 : i32 to index
    %swap3A_209 = arith.constant 192 : index
    %swap3A_210 = tpu.vector_load %arg11[%swap3A_208, %swap3A_209] {strides = array<i32>} : memref<1x416xi32, #tpu.memory_space<vmem>>, vector<16xi32>,
    tpu.vector_store %arg11[%swap3A_208, %swap3A_209], %and3A_206 {strides = array<i32>} : memref<1x416xi32, #tpu.memory_space<vmem>>, vector<16xi32>,
    %get3A_211 = arith.constant 208 : index
    %get3A_212 = tpu.vector_load %arg8[%get3A_211] {strides = array<i32>} : memref<13312xi32, #tpu.memory_space<vmem>>, vector<16xi32>,
    %shift_right_arithmetic3A_213 = arith.constant 6 : i32
    %shift_right_arithmetic3A_214 = vector.broadcast %shift_right_arithmetic3A_213 : i32 to vector<16xi32>
    %shift_right_arithmetic3A_215 = arith.shrsi %get3A_212, %shift_right_arithmetic3A_214 : vector<16xi32>
    %swap3A_216 = arith.constant 0 : i32
    %swap3A_217 = arith.index_cast %swap3A_216 : i32 to index
    %swap3A_218 = arith.constant 208 : index
    %swap3A_219 = tpu.vector_load %arg9[%swap3A_217, %swap3A_218] {strides = array<i32>} : memref<1x416xi32, #tpu.memory_space<vmem>>, vector<16xi32>,
    tpu.vector_store %arg9[%swap3A_217, %swap3A_218], %shift_right_arithmetic3A_215 {strides = array<i32>} : memref<1x416xi32, #tpu.memory_space<vmem>>, vector<16xi32>,
    %and3A_220 = arith.constant 63 : i32
    %and3A_221 = vector.broadcast %and3A_220 : i32 to vector<16xi32>
    %and3A_222 = arith.andi %get3A_212, %and3A_221 : vector<16xi32>
    %swap3A_223 = arith.constant 0 : i32
    %swap3A_224 = arith.index_cast %swap3A_223 : i32 to index
    %swap3A_225 = arith.constant 208 : index
    %swap3A_226 = tpu.vector_load %arg11[%swap3A_224, %swap3A_225] {strides = array<i32>} : memref<1x416xi32, #tpu.memory_space<vmem>>, vector<16xi32>,
    tpu.vector_store %arg11[%swap3A_224, %swap3A_225], %and3A_222 {strides = array<i32>} : memref<1x416xi32, #tpu.memory_space<vmem>>, vector<16xi32>,
    %get3A_227 = arith.constant 224 : index
    %get3A_228 = tpu.vector_load %arg8[%get3A_227] {strides = array<i32>} : memref<13312xi32, #tpu.memory_space<vmem>>, vector<16xi32>,
    %shift_right_arithmetic3A_229 = arith.constant 6 : i32
    %shift_right_arithmetic3A_230 = vector.broadcast %shift_right_arithmetic3A_229 : i32 to vector<16xi32>
    %shift_right_arithmetic3A_231 = arith.shrsi %get3A_228, %shift_right_arithmetic3A_230 : vector<16xi32>
    %swap3A_232 = arith.constant 0 : i32
    %swap3A_233 = arith.index_cast %swap3A_232 : i32 to index
    %swap3A_234 = arith.constant 224 : index
    %swap3A_235 = tpu.vector_load %arg9[%swap3A_233, %swap3A_234] {strides = array<i32>} : memref<1x416xi32, #tpu.memory_space<vmem>>, vector<16xi32>,
    tpu.vector_store %arg9[%swap3A_233, %swap3A_234], %shift_right_arithmetic3A_231 {strides = array<i32>} : memref<1x416xi32, #tpu.memory_space<vmem>>, vector<16xi32>,
    %and3A_236 = arith.constant 63 : i32
    %and3A_237 = vector.broadcast %and3A_236 : i32 to vector<16xi32>
    %and3A_238 = arith.andi %get3A_228, %and3A_237 : vector<16xi32>
    %swap3A_239 = arith.constant 0 : i32
    %swap3A_240 = arith.index_cast %swap3A_239 : i32 to index
    %swap3A_241 = arith.constant 224 : index
    %swap3A_242 = tpu.vector_load %arg11[%swap3A_240, %swap3A_241] {strides = array<i32>} : memref<1x416xi32, #tpu.memory_space<vmem>>, vector<16xi32>,
    tpu.vector_store %arg11[%swap3A_240, %swap3A_241], %and3A_238 {strides = array<i32>} : memref<1x416xi32, #tpu.memory_space<vmem>>, vector<16xi32>,
    %get3A_243 = arith.constant 240 : index
    %get3A_244 = tpu.vector_load %arg8[%get3A_243] {strides = array<i32>} : memref<13312xi32, #tpu.memory_space<vmem>>, vector<16xi32>,
    %shift_right_arithmetic3A_245 = arith.constant 6 : i32
    %shift_right_arithmetic3A_246 = vector.broadcast %shift_right_arithmetic3A_245 : i32 to vector<16xi32>
    %shift_right_arithmetic3A_247 = arith.shrsi %get3A_244, %shift_right_arithmetic3A_246 : vector<16xi32>
    %swap3A_248 = arith.constant 0 : i32
    %swap3A_249 = arith.index_cast %swap3A_248 : i32 to index
    %swap3A_250 = arith.constant 240 : index
    %swap3A_251 = tpu.vector_load %arg9[%swap3A_249, %swap3A_250] {strides = array<i32>} : memref<1x416xi32, #tpu.memory_space<vmem>>, vector<16xi32>,
    tpu.vector_store %arg9[%swap3A_249, %swap3A_250], %shift_right_arithmetic3A_247 {strides = array<i32>} : memref<1x416xi32, #tpu.memory_space<vmem>>, vector<16xi32>,
    %and3A_252 = arith.constant 63 : i32
    %and3A_253 = vector.broadcast %and3A_252 : i32 to vector<16xi32>
    %and3A_254 = arith.andi %get3A_244, %and3A_253 : vector<16xi32>
    %swap3A_255 = arith.constant 0 : i32
    %swap3A_256 = arith.index_cast %swap3A_255 : i32 to index
    %swap3A_257 = arith.constant 240 : index
    %swap3A_258 = tpu.vector_load %arg11[%swap3A_256, %swap3A_257] {strides = array<i32>} : memref<1x416xi32, #tpu.memory_space<vmem>>, vector<16xi32>,
    tpu.vector_store %arg11[%swap3A_256, %swap3A_257], %and3A_254 {strides = array<i32>} : memref<1x416xi32, #tpu.memory_space<vmem>>, vector<16xi32>,
    %get3A_259 = arith.constant 256 : index
    %get3A_260 = tpu.vector_load %arg8[%get3A_259] {strides = array<i32>} : memref<13312xi32, #tpu.memory_space<vmem>>, vector<16xi32>,
    %shift_right_arithmetic3A_261 = arith.constant 6 : i32
    %shift_right_arithmetic3A_262 = vector.broadcast %shift_right_arithmetic3A_261 : i32 to vector<16xi32>
    %shift_right_arithmetic3A_263 = arith.shrsi %get3A_260, %shift_right_arithmetic3A_262 : vector<16xi32>
    %swap3A_264 = arith.constant 0 : i32
    %swap3A_265 = arith.index_cast %swap3A_264 : i32 to index
    %swap3A_266 = arith.constant 256 : index
    %swap3A_267 = tpu.vector_load %arg9[%swap3A_265, %swap3A_266] {strides = array<i32>} : memref<1x416xi32, #tpu.memory_space<vmem>>, vector<16xi32>,
    tpu.vector_store %arg9[%swap3A_265, %swap3A_266], %shift_right_arithmetic3A_263 {strides = array<i32>} : memref<1x416xi32, #tpu.memory_space<vmem>>, vector<16xi32>,
    %and3A_268 = arith.constant 63 : i32
    %and3A_269 = vector.broadcast %and3A_268 : i32 to vector<16xi32>
    %and3A_270 = arith.andi %get3A_260, %and3A_269 : vector<16xi32>
    %swap3A_271 = arith.constant 0 : i32
    %swap3A_272 = arith.index_cast %swap3A_271 : i32 to index
    %swap3A_273 = arith.constant 256 : index
    %swap3A_274 = tpu.vector_load %arg11[%swap3A_272, %swap3A_273] {strides = array<i32>} : memref<1x416xi32, #tpu.memory_space<vmem>>, vector<16xi32>,
    tpu.vector_store %arg11[%swap3A_272, %swap3A_273], %and3A_270 {strides = array<i32>} : memref<1x416xi32, #tpu.memory_space<vmem>>, vector<16xi32>,
    %get3A_275 = arith.constant 272 : index
    %get3A_276 = tpu.vector_load %arg8[%get3A_275] {strides = array<i32>} : memref<13312xi32, #tpu.memory_space<vmem>>, vector<16xi32>,
    %shift_right_arithmetic3A_277 = arith.constant 6 : i32
    %shift_right_arithmetic3A_278 = vector.broadcast %shift_right_arithmetic3A_277 : i32 to vector<16xi32>
    %shift_right_arithmetic3A_279 = arith.shrsi %get3A_276, %shift_right_arithmetic3A_278 : vector<16xi32>
    %swap3A_280 = arith.constant 0 : i32
    %swap3A_281 = arith.index_cast %swap3A_280 : i32 to index
    %swap3A_282 = arith.constant 272 : index
    %swap3A_283 = tpu.vector_load %arg9[%swap3A_281, %swap3A_282] {strides = array<i32>} : memref<1x416xi32, #tpu.memory_space<vmem>>, vector<16xi32>,
    tpu.vector_store %arg9[%swap3A_281, %swap3A_282], %shift_right_arithmetic3A_279 {strides = array<i32>} : memref<1x416xi32, #tpu.memory_space<vmem>>, vector<16xi32>,
    %and3A_284 = arith.constant 63 : i32
    %and3A_285 = vector.broadcast %and3A_284 : i32 to vector<16xi32>
    %and3A_286 = arith.andi %get3A_276, %and3A_285 : vector<16xi32>
    %swap3A_287 = arith.constant 0 : i32
    %swap3A_288 = arith.index_cast %swap3A_287 : i32 to index
    %swap3A_289 = arith.constant 272 : index
    %swap3A_290 = tpu.vector_load %arg11[%swap3A_288, %swap3A_289] {strides = array<i32>} : memref<1x416xi32, #tpu.memory_space<vmem>>, vector<16xi32>,
    tpu.vector_store %arg11[%swap3A_288, %swap3A_289], %and3A_286 {strides = array<i32>} : memref<1x416xi32, #tpu.memory_space<vmem>>, vector<16xi32>,
    %get3A_291 = arith.constant 288 : index
    %get3A_292 = tpu.vector_load %arg8[%get3A_291] {strides = array<i32>} : memref<13312xi32, #tpu.memory_space<vmem>>, vector<16xi32>,
    %shift_right_arithmetic3A_293 = arith.constant 6 : i32
    %shift_right_arithmetic3A_294 = vector.broadcast %shift_right_arithmetic3A_293 : i32 to vector<16xi32>
    %shift_right_arithmetic3A_295 = arith.shrsi %get3A_292, %shift_right_arithmetic3A_294 : vector<16xi32>
    %swap3A_296 = arith.constant 0 : i32
    %swap3A_297 = arith.index_cast %swap3A_296 : i32 to index
    %swap3A_298 = arith.constant 288 : index
    %swap3A_299 = tpu.vector_load %arg9[%swap3A_297, %swap3A_298] {strides = array<i32>} : memref<1x416xi32, #tpu.memory_space<vmem>>, vector<16xi32>,
    tpu.vector_store %arg9[%swap3A_297, %swap3A_298], %shift_right_arithmetic3A_295 {strides = array<i32>} : memref<1x416xi32, #tpu.memory_space<vmem>>, vector<16xi32>,
    %and3A_300 = arith.constant 63 : i32
    %and3A_301 = vector.broadcast %and3A_300 : i32 to vector<16xi32>
    %and3A_302 = arith.andi %get3A_292, %and3A_301 : vector<16xi32>
    %swap3A_303 = arith.constant 0 : i32
    %swap3A_304 = arith.index_cast %swap3A_303 : i32 to index
    %swap3A_305 = arith.constant 288 : index
    %swap3A_306 = tpu.vector_load %arg11[%swap3A_304, %swap3A_305] {strides = array<i32>} : memref<1x416xi32, #tpu.memory_space<vmem>>, vector<16xi32>,
    tpu.vector_store %arg11[%swap3A_304, %swap3A_305], %and3A_302 {strides = array<i32>} : memref<1x416xi32, #tpu.memory_space<vmem>>, vector<16xi32>,
    %get3A_307 = arith.constant 304 : index
    %get3A_308 = tpu.vector_load %arg8[%get3A_307] {strides = array<i32>} : memref<13312xi32, #tpu.memory_space<vmem>>, vector<16xi32>,
    %shift_right_arithmetic3A_309 = arith.constant 6 : i32
    %shift_right_arithmetic3A_310 = vector.broadcast %shift_right_arithmetic3A_309 : i32 to vector<16xi32>
    %shift_right_arithmetic3A_311 = arith.shrsi %get3A_308, %shift_right_arithmetic3A_310 : vector<16xi32>
    %swap3A_312 = arith.constant 0 : i32
    %swap3A_313 = arith.index_cast %swap3A_312 : i32 to index
    %swap3A_314 = arith.constant 304 : index
    %swap3A_315 = tpu.vector_load %arg9[%swap3A_313, %swap3A_314] {strides = array<i32>} : memref<1x416xi32, #tpu.memory_space<vmem>>, vector<16xi32>,
    tpu.vector_store %arg9[%swap3A_313, %swap3A_314], %shift_right_arithmetic3A_311 {strides = array<i32>} : memref<1x416xi32, #tpu.memory_space<vmem>>, vector<16xi32>,
    %and3A_316 = arith.constant 63 : i32
    %and3A_317 = vector.broadcast %and3A_316 : i32 to vector<16xi32>
    %and3A_318 = arith.andi %get3A_308, %and3A_317 : vector<16xi32>
    %swap3A_319 = arith.constant 0 : i32
    %swap3A_320 = arith.index_cast %swap3A_319 : i32 to index
    %swap3A_321 = arith.constant 304 : index
    %swap3A_322 = tpu.vector_load %arg11[%swap3A_320, %swap3A_321] {strides = array<i32>} : memref<1x416xi32, #tpu.memory_space<vmem>>, vector<16xi32>,
    tpu.vector_store %arg11[%swap3A_320, %swap3A_321], %and3A_318 {strides = array<i32>} : memref<1x416xi32, #tpu.memory_space<vmem>>, vector<16xi32>,
    %get3A_323 = arith.constant 320 : index
    %get3A_324 = tpu.vector_load %arg8[%get3A_323] {strides = array<i32>} : memref<13312xi32, #tpu.memory_space<vmem>>, vector<16xi32>,
    %shift_right_arithmetic3A_325 = arith.constant 6 : i32
    %shift_right_arithmetic3A_326 = vector.broadcast %shift_right_arithmetic3A_325 : i32 to vector<16xi32>
    %shift_right_arithmetic3A_327 = arith.shrsi %get3A_324, %shift_right_arithmetic3A_326 : vector<16xi32>
    %swap3A_328 = arith.constant 0 : i32
    %swap3A_329 = arith.index_cast %swap3A_328 : i32 to index
    %swap3A_330 = arith.constant 320 : index
    %swap3A_331 = tpu.vector_load %arg9[%swap3A_329, %swap3A_330] {strides = array<i32>} : memref<1x416xi32, #tpu.memory_space<vmem>>, vector<16xi32>,
    tpu.vector_store %arg9[%swap3A_329, %swap3A_330], %shift_right_arithmetic3A_327 {strides = array<i32>} : memref<1x416xi32, #tpu.memory_space<vmem>>, vector<16xi32>,
    %and3A_332 = arith.constant 63 : i32
    %and3A_333 = vector.broadcast %and3A_332 : i32 to vector<16xi32>
    %and3A_334 = arith.andi %get3A_324, %and3A_333 : vector<16xi32>
    %swap3A_335 = arith.constant 0 : i32
    %swap3A_336 = arith.index_cast %swap3A_335 : i32 to index
    %swap3A_337 = arith.constant 320 : index
    %swap3A_338 = tpu.vector_load %arg11[%swap3A_336, %swap3A_337] {strides = array<i32>} : memref<1x416xi32, #tpu.memory_space<vmem>>, vector<16xi32>,
    tpu.vector_store %arg11[%swap3A_336, %swap3A_337], %and3A_334 {strides = array<i32>} : memref<1x416xi32, #tpu.memory_space<vmem>>, vector<16xi32>,
    %get3A_339 = arith.constant 336 : index
    %get3A_340 = tpu.vector_load %arg8[%get3A_339] {strides = array<i32>} : memref<13312xi32, #tpu.memory_space<vmem>>, vector<16xi32>,
    %shift_right_arithmetic3A_341 = arith.constant 6 : i32
    %shift_right_arithmetic3A_342 = vector.broadcast %shift_right_arithmetic3A_341 : i32 to vector<16xi32>
    %shift_right_arithmetic3A_343 = arith.shrsi %get3A_340, %shift_right_arithmetic3A_342 : vector<16xi32>
    %swap3A_344 = arith.constant 0 : i32
    %swap3A_345 = arith.index_cast %swap3A_344 : i32 to index
    %swap3A_346 = arith.constant 336 : index
    %swap3A_347 = tpu.vector_load %arg9[%swap3A_345, %swap3A_346] {strides = array<i32>} : memref<1x416xi32, #tpu.memory_space<vmem>>, vector<16xi32>,
    tpu.vector_store %arg9[%swap3A_345, %swap3A_346], %shift_right_arithmetic3A_343 {strides = array<i32>} : memref<1x416xi32, #tpu.memory_space<vmem>>, vector<16xi32>,
    %and3A_348 = arith.constant 63 : i32
    %and3A_349 = vector.broadcast %and3A_348 : i32 to vector<16xi32>
    %and3A_350 = arith.andi %get3A_340, %and3A_349 : vector<16xi32>
    %swap3A_351 = arith.constant 0 : i32
    %swap3A_352 = arith.index_cast %swap3A_351 : i32 to index
    %swap3A_353 = arith.constant 336 : index
    %swap3A_354 = tpu.vector_load %arg11[%swap3A_352, %swap3A_353] {strides = array<i32>} : memref<1x416xi32, #tpu.memory_space<vmem>>, vector<16xi32>,
    tpu.vector_store %arg11[%swap3A_352, %swap3A_353], %and3A_350 {strides = array<i32>} : memref<1x416xi32, #tpu.memory_space<vmem>>, vector<16xi32>,
    %get3A_355 = arith.constant 352 : index
    %get3A_356 = tpu.vector_load %arg8[%get3A_355] {strides = array<i32>} : memref<13312xi32, #tpu.memory_space<vmem>>, vector<16xi32>,
    %shift_right_arithmetic3A_357 = arith.constant 6 : i32
    %shift_right_arithmetic3A_358 = vector.broadcast %shift_right_arithmetic3A_357 : i32 to vector<16xi32>
    %shift_right_arithmetic3A_359 = arith.shrsi %get3A_356, %shift_right_arithmetic3A_358 : vector<16xi32>
    %swap3A_360 = arith.constant 0 : i32
    %swap3A_361 = arith.index_cast %swap3A_360 : i32 to index
    %swap3A_362 = arith.constant 352 : index
    %swap3A_363 = tpu.vector_load %arg9[%swap3A_361, %swap3A_362] {strides = array<i32>} : memref<1x416xi32, #tpu.memory_space<vmem>>, vector<16xi32>,
    tpu.vector_store %arg9[%swap3A_361, %swap3A_362], %shift_right_arithmetic3A_359 {strides = array<i32>} : memref<1x416xi32, #tpu.memory_space<vmem>>, vector<16xi32>,
    %and3A_364 = arith.constant 63 : i32
    %and3A_365 = vector.broadcast %and3A_364 : i32 to vector<16xi32>
    %and3A_366 = arith.andi %get3A_356, %and3A_365 : vector<16xi32>
    %swap3A_367 = arith.constant 0 : i32
    %swap3A_368 = arith.index_cast %swap3A_367 : i32 to index
    %swap3A_369 = arith.constant 352 : index
    %swap3A_370 = tpu.vector_load %arg11[%swap3A_368, %swap3A_369] {strides = array<i32>} : memref<1x416xi32, #tpu.memory_space<vmem>>, vector<16xi32>,
    tpu.vector_store %arg11[%swap3A_368, %swap3A_369], %and3A_366 {strides = array<i32>} : memref<1x416xi32, #tpu.memory_space<vmem>>, vector<16xi32>,
    %get3A_371 = arith.constant 368 : index
    %get3A_372 = tpu.vector_load %arg8[%get3A_371] {strides = array<i32>} : memref<13312xi32, #tpu.memory_space<vmem>>, vector<16xi32>,
    %shift_right_arithmetic3A_373 = arith.constant 6 : i32
    %shift_right_arithmetic3A_374 = vector.broadcast %shift_right_arithmetic3A_373 : i32 to vector<16xi32>
    %shift_right_arithmetic3A_375 = arith.shrsi %get3A_372, %shift_right_arithmetic3A_374 : vector<16xi32>
    %swap3A_376 = arith.constant 0 : i32
    %swap3A_377 = arith.index_cast %swap3A_376 : i32 to index
    %swap3A_378 = arith.constant 368 : index
    %swap3A_379 = tpu.vector_load %arg9[%swap3A_377, %swap3A_378] {strides = array<i32>} : memref<1x416xi32, #tpu.memory_space<vmem>>, vector<16xi32>,
    tpu.vector_store %arg9[%swap3A_377, %swap3A_378], %shift_right_arithmetic3A_375 {strides = array<i32>} : memref<1x416xi32, #tpu.memory_space<vmem>>, vector<16xi32>,
    %and3A_380 = arith.constant 63 : i32
    %and3A_381 = vector.broadcast %and3A_380 : i32 to vector<16xi32>
    %and3A_382 = arith.andi %get3A_372, %and3A_381 : vector<16xi32>
    %swap3A_383 = arith.constant 0 : i32
    %swap3A_384 = arith.index_cast %swap3A_383 : i32 to index
    %swap3A_385 = arith.constant 368 : index
    %swap3A_386 = tpu.vector_load %arg11[%swap3A_384, %swap3A_385] {strides = array<i32>} : memref<1x416xi32, #tpu.memory_space<vmem>>, vector<16xi32>,
    tpu.vector_store %arg11[%swap3A_384, %swap3A_385], %and3A_382 {strides = array<i32>} : memref<1x416xi32, #tpu.memory_space<vmem>>, vector<16xi32>,
    %get3A_387 = arith.constant 384 : index
    %get3A_388 = tpu.vector_load %arg8[%get3A_387] {strides = array<i32>} : memref<13312xi32, #tpu.memory_space<vmem>>, vector<16xi32>,
    %shift_right_arithmetic3A_389 = arith.constant 6 : i32
    %shift_right_arithmetic3A_390 = vector.broadcast %shift_right_arithmetic3A_389 : i32 to vector<16xi32>
    %shift_right_arithmetic3A_391 = arith.shrsi %get3A_388, %shift_right_arithmetic3A_390 : vector<16xi32>
    %swap3A_392 = arith.constant 0 : i32
    %swap3A_393 = arith.index_cast %swap3A_392 : i32 to index
    %swap3A_394 = arith.constant 384 : index
    %swap3A_395 = tpu.vector_load %arg9[%swap3A_393, %swap3A_394] {strides = array<i32>} : memref<1x416xi32, #tpu.memory_space<vmem>>, vector<16xi32>,
    tpu.vector_store %arg9[%swap3A_393, %swap3A_394], %shift_right_arithmetic3A_391 {strides = array<i32>} : memref<1x416xi32, #tpu.memory_space<vmem>>, vector<16xi32>,
    %and3A_396 = arith.constant 63 : i32
    %and3A_397 = vector.broadcast %and3A_396 : i32 to vector<16xi32>
    %and3A_398 = arith.andi %get3A_388, %and3A_397 : vector<16xi32>
    %swap3A_399 = arith.constant 0 : i32
    %swap3A_400 = arith.index_cast %swap3A_399 : i32 to index
    %swap3A_401 = arith.constant 384 : index
    %swap3A_402 = tpu.vector_load %arg11[%swap3A_400, %swap3A_401] {strides = array<i32>} : memref<1x416xi32, #tpu.memory_space<vmem>>, vector<16xi32>,
    tpu.vector_store %arg11[%swap3A_400, %swap3A_401], %and3A_398 {strides = array<i32>} : memref<1x416xi32, #tpu.memory_space<vmem>>, vector<16xi32>,
    %get3A_403 = arith.constant 400 : index
    %get3A_404 = tpu.vector_load %arg8[%get3A_403] {strides = array<i32>} : memref<13312xi32, #tpu.memory_space<vmem>>, vector<16xi32>,
    %shift_right_arithmetic3A_405 = arith.constant 6 : i32
    %shift_right_arithmetic3A_406 = vector.broadcast %shift_right_arithmetic3A_405 : i32 to vector<16xi32>
    %shift_right_arithmetic3A_407 = arith.shrsi %get3A_404, %shift_right_arithmetic3A_406 : vector<16xi32>
    %swap3A_408 = arith.constant 0 : i32
    %swap3A_409 = arith.index_cast %swap3A_408 : i32 to index
    %swap3A_410 = arith.constant 400 : index
    %swap3A_411 = tpu.vector_load %arg9[%swap3A_409, %swap3A_410] {strides = array<i32>} : memref<1x416xi32, #tpu.memory_space<vmem>>, vector<16xi32>,
    tpu.vector_store %arg9[%swap3A_409, %swap3A_410], %shift_right_arithmetic3A_407 {strides = array<i32>} : memref<1x416xi32, #tpu.memory_space<vmem>>, vector<16xi32>,
    %and3A_412 = arith.constant 63 : i32
    %and3A_413 = vector.broadcast %and3A_412 : i32 to vector<16xi32>
    %and3A_414 = arith.andi %get3A_404, %and3A_413 : vector<16xi32>
    %swap3A_415 = arith.constant 0 : i32
    %swap3A_416 = arith.index_cast %swap3A_415 : i32 to index
    %swap3A_417 = arith.constant 400 : index
    %swap3A_418 = tpu.vector_load %arg11[%swap3A_416, %swap3A_417] {strides = array<i32>} : memref<1x416xi32, #tpu.memory_space<vmem>>, vector<16xi32>,
    tpu.vector_store %arg11[%swap3A_416, %swap3A_417], %and3A_414 {strides = array<i32>} : memref<1x416xi32, #tpu.memory_space<vmem>>, vector<16xi32>,
    %dma_start3A_419 = arith.constant 0 : i32
    %dma_start3A_420 = arith.constant 0 : i32
    %dma_start3A_421 = tpu.memref_slice %arg9[%dma_start3A_419, %dma_start3A_420] : memref<1x416xi32, #tpu.memory_space<vmem>> -> memref<1x416xi32, #tpu.memory_space<vmem>>
    %dma_start3A_422 = tpu.memref_squeeze %dma_start3A_421 : memref<1x416xi32, #tpu.memory_space<vmem>> -> memref<416xi32, #tpu.memory_space<vmem>>
    %dma_start3A_423 = arith.constant 0 : i32
    %dma_start3A_424 = arith.constant 0 : i32
    %dma_start3A_425 = tpu.memref_slice %arg6[%dma_start3A_423, %dma_start3A_424] : memref<15627x64xf32, #tpu.memory_space<vmem_shared>> -> memref<15627x64xf32, #tpu.memory_space<vmem_shared>>
    tpu.enqueue_indirect_dma source(%dma_start3A_425 : memref<15627x64xf32, #tpu.memory_space<vmem_shared>>) target(%arg13 : memref<416x64xf32, #tpu.memory_space<vmem>>) offsets(%dma_start3A_422 : memref<416xi32, #tpu.memory_space<vmem>>) semaphore(%arg16 : memref<!tpu.dma_semaphore, #tpu.memory_space<semaphore_mem>>)
    %scan3A = arith.constant 0 : i32
    %scan3A_426 = arith.constant 0 : i32
    %scan3A_427 = arith.constant 16 : i32
    %scan3A_428 = arith.addi %scan3A_426, %scan3A_427 : i32
    %scan3A_429 = arith.constant 1 : i32
    scf.for %scan3A_443 = %scan3A_426 to %scan3A_428 step %scan3A_429  : i32 {
      %mul3A_444 = arith.constant 2 : i32
      %mul3A_445 = arith.muli %scan3A_443, %mul3A_444 : i32
      %add3A_446 = arith.constant 0 : i32
      %add3A_447 = arith.addi %mul3A_445, %add3A_446 : i32
      %add3A_448 = arith.constant 1 : i32
      %add3A_449 = arith.addi %add3A_447, %add3A_448 : i32
      %lt3A = arith.constant 32 : i32
      %lt3A_450 = arith.cmpi slt, %add3A_449, %lt3A : i32
      %convert_element_type3A_451 = arith.extui %lt3A_450 : i1 to i32
      %cond3A_452 = arith.constant 0 : i32
      %cond3A_453 = arith.cmpi ne, %convert_element_type3A_451, %cond3A_452 : i32
      scf.if %cond3A_453 {
        %add3A_521 = arith.constant 1 : i32
        %add3A_522 = arith.addi %add3A_447, %add3A_521 : i32
        %mul3A_523 = arith.constant 416 : i32
        %mul3A_524 = arith.muli %add3A_522, %mul3A_523 : i32
        %add3A_525 = arith.constant 0 : i32
        %add3A_526 = arith.addi %mul3A_524, %add3A_525 : i32
        %get3A_527 = arith.index_cast %add3A_526 : i32 to index
        %get3A_528 = tpu.vector_load %arg8[%get3A_527] {strides = array<i32>} : memref<13312xi32, #tpu.memory_space<vmem>>, vector<16xi32>,
        %shift_right_arithmetic3A_529 = arith.constant 6 : i32
        %shift_right_arithmetic3A_530 = vector.broadcast %shift_right_arithmetic3A_529 : i32 to vector<16xi32>
        %shift_right_arithmetic3A_531 = arith.shrsi %get3A_528, %shift_right_arithmetic3A_530 : vector<16xi32>
        %swap3A_532 = arith.constant 0 : i32
        %swap3A_533 = arith.index_cast %swap3A_532 : i32 to index
        %swap3A_534 = arith.constant 0 : index
        %swap3A_535 = tpu.vector_load %arg10[%swap3A_533, %swap3A_534] {strides = array<i32>} : memref<1x416xi32, #tpu.memory_space<vmem>>, vector<16xi32>,
        tpu.vector_store %arg10[%swap3A_533, %swap3A_534], %shift_right_arithmetic3A_531 {strides = array<i32>} : memref<1x416xi32, #tpu.memory_space<vmem>>, vector<16xi32>,
        %and3A_536 = arith.constant 63 : i32
        %and3A_537 = vector.broadcast %and3A_536 : i32 to vector<16xi32>
        %and3A_538 = arith.andi %get3A_528, %and3A_537 : vector<16xi32>
        %swap3A_539 = arith.constant 0 : i32
        %swap3A_540 = arith.index_cast %swap3A_539 : i32 to index
        %swap3A_541 = arith.constant 0 : index
        %swap3A_542 = tpu.vector_load %arg12[%swap3A_540, %swap3A_541] {strides = array<i32>} : memref<1x416xi32, #tpu.memory_space<vmem>>, vector<16xi32>,
        tpu.vector_store %arg12[%swap3A_540, %swap3A_541], %and3A_538 {strides = array<i32>} : memref<1x416xi32, #tpu.memory_space<vmem>>, vector<16xi32>,
        %mul3A_543 = arith.constant 416 : i32
        %mul3A_544 = arith.muli %add3A_522, %mul3A_543 : i32
        %add3A_545 = arith.constant 16 : i32
        %add3A_546 = arith.addi %mul3A_544, %add3A_545 : i32
        %get3A_547 = arith.index_cast %add3A_546 : i32 to index
        %get3A_548 = tpu.vector_load %arg8[%get3A_547] {strides = array<i32>} : memref<13312xi32, #tpu.memory_space<vmem>>, vector<16xi32>,
        %shift_right_arithmetic3A_549 = arith.constant 6 : i32
        %shift_right_arithmetic3A_550 = vector.broadcast %shift_right_arithmetic3A_549 : i32 to vector<16xi32>
        %shift_right_arithmetic3A_551 = arith.shrsi %get3A_548, %shift_right_arithmetic3A_550 : vector<16xi32>
        %swap3A_552 = arith.constant 0 : i32
        %swap3A_553 = arith.index_cast %swap3A_552 : i32 to index
        %swap3A_554 = arith.constant 16 : index
        %swap3A_555 = tpu.vector_load %arg10[%swap3A_553, %swap3A_554] {strides = array<i32>} : memref<1x416xi32, #tpu.memory_space<vmem>>, vector<16xi32>,
        tpu.vector_store %arg10[%swap3A_553, %swap3A_554], %shift_right_arithmetic3A_551 {strides = array<i32>} : memref<1x416xi32, #tpu.memory_space<vmem>>, vector<16xi32>,
        %and3A_556 = arith.constant 63 : i32
        %and3A_557 = vector.broadcast %and3A_556 : i32 to vector<16xi32>
        %and3A_558 = arith.andi %get3A_548, %and3A_557 : vector<16xi32>
        %swap3A_559 = arith.constant 0 : i32
        %swap3A_560 = arith.index_cast %swap3A_559 : i32 to index
        %swap3A_561 = arith.constant 16 : index
        %swap3A_562 = tpu.vector_load %arg12[%swap3A_560, %swap3A_561] {strides = array<i32>} : memref<1x416xi32, #tpu.memory_space<vmem>>, vector<16xi32>,
        tpu.vector_store %arg12[%swap3A_560, %swap3A_561], %and3A_558 {strides = array<i32>} : memref<1x416xi32, #tpu.memory_space<vmem>>, vector<16xi32>,
        %mul3A_563 = arith.constant 416 : i32
        %mul3A_564 = arith.muli %add3A_522, %mul3A_563 : i32
        %add3A_565 = arith.constant 32 : i32
        %add3A_566 = arith.addi %mul3A_564, %add3A_565 : i32
        %get3A_567 = arith.index_cast %add3A_566 : i32 to index
        %get3A_568 = tpu.vector_load %arg8[%get3A_567] {strides = array<i32>} : memref<13312xi32, #tpu.memory_space<vmem>>, vector<16xi32>,
        %shift_right_arithmetic3A_569 = arith.constant 6 : i32
        %shift_right_arithmetic3A_570 = vector.broadcast %shift_right_arithmetic3A_569 : i32 to vector<16xi32>
        %shift_right_arithmetic3A_571 = arith.shrsi %get3A_568, %shift_right_arithmetic3A_570 : vector<16xi32>
        %swap3A_572 = arith.constant 0 : i32
        %swap3A_573 = arith.index_cast %swap3A_572 : i32 to index
        %swap3A_574 = arith.constant 32 : index
        %swap3A_575 = tpu.vector_load %arg10[%swap3A_573, %swap3A_574] {strides = array<i32>} : memref<1x416xi32, #tpu.memory_space<vmem>>, vector<16xi32>,
        tpu.vector_store %arg10[%swap3A_573, %swap3A_574], %shift_right_arithmetic3A_571 {strides = array<i32>} : memref<1x416xi32, #tpu.memory_space<vmem>>, vector<16xi32>,
        %and3A_576 = arith.constant 63 : i32
        %and3A_577 = vector.broadcast %and3A_576 : i32 to vector<16xi32>
        %and3A_578 = arith.andi %get3A_568, %and3A_577 : vector<16xi32>
        %swap3A_579 = arith.constant 0 : i32
        %swap3A_580 = arith.index_cast %swap3A_579 : i32 to index
        %swap3A_581 = arith.constant 32 : index
        %swap3A_582 = tpu.vector_load %arg12[%swap3A_580, %swap3A_581] {strides = array<i32>} : memref<1x416xi32, #tpu.memory_space<vmem>>, vector<16xi32>,
        tpu.vector_store %arg12[%swap3A_580, %swap3A_581], %and3A_578 {strides = array<i32>} : memref<1x416xi32, #tpu.memory_space<vmem>>, vector<16xi32>,
        %mul3A_583 = arith.constant 416 : i32
        %mul3A_584 = arith.muli %add3A_522, %mul3A_583 : i32
        %add3A_585 = arith.constant 48 : i32
        %add3A_586 = arith.addi %mul3A_584, %add3A_585 : i32
        %get3A_587 = arith.index_cast %add3A_586 : i32 to index
        %get3A_588 = tpu.vector_load %arg8[%get3A_587] {strides = array<i32>} : memref<13312xi32, #tpu.memory_space<vmem>>, vector<16xi32>,
        %shift_right_arithmetic3A_589 = arith.constant 6 : i32
        %shift_right_arithmetic3A_590 = vector.broadcast %shift_right_arithmetic3A_589 : i32 to vector<16xi32>
        %shift_right_arithmetic3A_591 = arith.shrsi %get3A_588, %shift_right_arithmetic3A_590 : vector<16xi32>
        %swap3A_592 = arith.constant 0 : i32
        %swap3A_593 = arith.index_cast %swap3A_592 : i32 to index
        %swap3A_594 = arith.constant 48 : index
        %swap3A_595 = tpu.vector_load %arg10[%swap3A_593, %swap3A_594] {strides = array<i32>} : memref<1x416xi32, #tpu.memory_space<vmem>>, vector<16xi32>,
        tpu.vector_store %arg10[%swap3A_593, %swap3A_594], %shift_right_arithmetic3A_591 {strides = array<i32>} : memref<1x416xi32, #tpu.memory_space<vmem>>, vector<16xi32>,
        %and3A_596 = arith.constant 63 : i32
        %and3A_597 = vector.broadcast %and3A_596 : i32 to vector<16xi32>
        %and3A_598 = arith.andi %get3A_588, %and3A_597 : vector<16xi32>
        %swap3A_599 = arith.constant 0 : i32
        %swap3A_600 = arith.index_cast %swap3A_599 : i32 to index
        %swap3A_601 = arith.constant 48 : index
        %swap3A_602 = tpu.vector_load %arg12[%swap3A_600, %swap3A_601] {strides = array<i32>} : memref<1x416xi32, #tpu.memory_space<vmem>>, vector<16xi32>,
        tpu.vector_store %arg12[%swap3A_600, %swap3A_601], %and3A_598 {strides = array<i32>} : memref<1x416xi32, #tpu.memory_space<vmem>>, vector<16xi32>,
        %mul3A_603 = arith.constant 416 : i32
        %mul3A_604 = arith.muli %add3A_522, %mul3A_603 : i32
        %add3A_605 = arith.constant 64 : i32
        %add3A_606 = arith.addi %mul3A_604, %add3A_605 : i32
        %get3A_607 = arith.index_cast %add3A_606 : i32 to index
        %get3A_608 = tpu.vector_load %arg8[%get3A_607] {strides = array<i32>} : memref<13312xi32, #tpu.memory_space<vmem>>, vector<16xi32>,
        %shift_right_arithmetic3A_609 = arith.constant 6 : i32
        %shift_right_arithmetic3A_610 = vector.broadcast %shift_right_arithmetic3A_609 : i32 to vector<16xi32>
        %shift_right_arithmetic3A_611 = arith.shrsi %get3A_608, %shift_right_arithmetic3A_610 : vector<16xi32>
        %swap3A_612 = arith.constant 0 : i32
        %swap3A_613 = arith.index_cast %swap3A_612 : i32 to index
        %swap3A_614 = arith.constant 64 : index
        %swap3A_615 = tpu.vector_load %arg10[%swap3A_613, %swap3A_614] {strides = array<i32>} : memref<1x416xi32, #tpu.memory_space<vmem>>, vector<16xi32>,
        tpu.vector_store %arg10[%swap3A_613, %swap3A_614], %shift_right_arithmetic3A_611 {strides = array<i32>} : memref<1x416xi32, #tpu.memory_space<vmem>>, vector<16xi32>,
        %and3A_616 = arith.constant 63 : i32
        %and3A_617 = vector.broadcast %and3A_616 : i32 to vector<16xi32>
        %and3A_618 = arith.andi %get3A_608, %and3A_617 : vector<16xi32>
        %swap3A_619 = arith.constant 0 : i32
        %swap3A_620 = arith.index_cast %swap3A_619 : i32 to index
        %swap3A_621 = arith.constant 64 : index
        %swap3A_622 = tpu.vector_load %arg12[%swap3A_620, %swap3A_621] {strides = array<i32>} : memref<1x416xi32, #tpu.memory_space<vmem>>, vector<16xi32>,
        tpu.vector_store %arg12[%swap3A_620, %swap3A_621], %and3A_618 {strides = array<i32>} : memref<1x416xi32, #tpu.memory_space<vmem>>, vector<16xi32>,
        %mul3A_623 = arith.constant 416 : i32
        %mul3A_624 = arith.muli %add3A_522, %mul3A_623 : i32
        %add3A_625 = arith.constant 80 : i32
        %add3A_626 = arith.addi %mul3A_624, %add3A_625 : i32
        %get3A_627 = arith.index_cast %add3A_626 : i32 to index
        %get3A_628 = tpu.vector_load %arg8[%get3A_627] {strides = array<i32>} : memref<13312xi32, #tpu.memory_space<vmem>>, vector<16xi32>,
        %shift_right_arithmetic3A_629 = arith.constant 6 : i32
        %shift_right_arithmetic3A_630 = vector.broadcast %shift_right_arithmetic3A_629 : i32 to vector<16xi32>
        %shift_right_arithmetic3A_631 = arith.shrsi %get3A_628, %shift_right_arithmetic3A_630 : vector<16xi32>
        %swap3A_632 = arith.constant 0 : i32
        %swap3A_633 = arith.index_cast %swap3A_632 : i32 to index
        %swap3A_634 = arith.constant 80 : index
        %swap3A_635 = tpu.vector_load %arg10[%swap3A_633, %swap3A_634] {strides = array<i32>} : memref<1x416xi32, #tpu.memory_space<vmem>>, vector<16xi32>,
        tpu.vector_store %arg10[%swap3A_633, %swap3A_634], %shift_right_arithmetic3A_631 {strides = array<i32>} : memref<1x416xi32, #tpu.memory_space<vmem>>, vector<16xi32>,
        %and3A_636 = arith.constant 63 : i32
        %and3A_637 = vector.broadcast %and3A_636 : i32 to vector<16xi32>
        %and3A_638 = arith.andi %get3A_628, %and3A_637 : vector<16xi32>
        %swap3A_639 = arith.constant 0 : i32
        %swap3A_640 = arith.index_cast %swap3A_639 : i32 to index
        %swap3A_641 = arith.constant 80 : index
        %swap3A_642 = tpu.vector_load %arg12[%swap3A_640, %swap3A_641] {strides = array<i32>} : memref<1x416xi32, #tpu.memory_space<vmem>>, vector<16xi32>,
        tpu.vector_store %arg12[%swap3A_640, %swap3A_641], %and3A_638 {strides = array<i32>} : memref<1x416xi32, #tpu.memory_space<vmem>>, vector<16xi32>,
        %mul3A_643 = arith.constant 416 : i32
        %mul3A_644 = arith.muli %add3A_522, %mul3A_643 : i32
        %add3A_645 = arith.constant 96 : i32
        %add3A_646 = arith.addi %mul3A_644, %add3A_645 : i32
        %get3A_647 = arith.index_cast %add3A_646 : i32 to index
        %get3A_648 = tpu.vector_load %arg8[%get3A_647] {strides = array<i32>} : memref<13312xi32, #tpu.memory_space<vmem>>, vector<16xi32>,
        %shift_right_arithmetic3A_649 = arith.constant 6 : i32
        %shift_right_arithmetic3A_650 = vector.broadcast %shift_right_arithmetic3A_649 : i32 to vector<16xi32>
        %shift_right_arithmetic3A_651 = arith.shrsi %get3A_648, %shift_right_arithmetic3A_650 : vector<16xi32>
        %swap3A_652 = arith.constant 0 : i32
        %swap3A_653 = arith.index_cast %swap3A_652 : i32 to index
        %swap3A_654 = arith.constant 96 : index
        %swap3A_655 = tpu.vector_load %arg10[%swap3A_653, %swap3A_654] {strides = array<i32>} : memref<1x416xi32, #tpu.memory_space<vmem>>, vector<16xi32>,
        tpu.vector_store %arg10[%swap3A_653, %swap3A_654], %shift_right_arithmetic3A_651 {strides = array<i32>} : memref<1x416xi32, #tpu.memory_space<vmem>>, vector<16xi32>,
        %and3A_656 = arith.constant 63 : i32
        %and3A_657 = vector.broadcast %and3A_656 : i32 to vector<16xi32>
        %and3A_658 = arith.andi %get3A_648, %and3A_657 : vector<16xi32>
        %swap3A_659 = arith.constant 0 : i32
        %swap3A_660 = arith.index_cast %swap3A_659 : i32 to index
        %swap3A_661 = arith.constant 96 : index
        %swap3A_662 = tpu.vector_load %arg12[%swap3A_660, %swap3A_661] {strides = array<i32>} : memref<1x416xi32, #tpu.memory_space<vmem>>, vector<16xi32>,
        tpu.vector_store %arg12[%swap3A_660, %swap3A_661], %and3A_658 {strides = array<i32>} : memref<1x416xi32, #tpu.memory_space<vmem>>, vector<16xi32>,
        %mul3A_663 = arith.constant 416 : i32
        %mul3A_664 = arith.muli %add3A_522, %mul3A_663 : i32
        %add3A_665 = arith.constant 112 : i32
        %add3A_666 = arith.addi %mul3A_664, %add3A_665 : i32
        %get3A_667 = arith.index_cast %add3A_666 : i32 to index
        %get3A_668 = tpu.vector_load %arg8[%get3A_667] {strides = array<i32>} : memref<13312xi32, #tpu.memory_space<vmem>>, vector<16xi32>,
        %shift_right_arithmetic3A_669 = arith.constant 6 : i32
        %shift_right_arithmetic3A_670 = vector.broadcast %shift_right_arithmetic3A_669 : i32 to vector<16xi32>
        %shift_right_arithmetic3A_671 = arith.shrsi %get3A_668, %shift_right_arithmetic3A_670 : vector<16xi32>
        %swap3A_672 = arith.constant 0 : i32
        %swap3A_673 = arith.index_cast %swap3A_672 : i32 to index
        %swap3A_674 = arith.constant 112 : index
        %swap3A_675 = tpu.vector_load %arg10[%swap3A_673, %swap3A_674] {strides = array<i32>} : memref<1x416xi32, #tpu.memory_space<vmem>>, vector<16xi32>,
        tpu.vector_store %arg10[%swap3A_673, %swap3A_674], %shift_right_arithmetic3A_671 {strides = array<i32>} : memref<1x416xi32, #tpu.memory_space<vmem>>, vector<16xi32>,
        %and3A_676 = arith.constant 63 : i32
        %and3A_677 = vector.broadcast %and3A_676 : i32 to vector<16xi32>
        %and3A_678 = arith.andi %get3A_668, %and3A_677 : vector<16xi32>
        %swap3A_679 = arith.constant 0 : i32
        %swap3A_680 = arith.index_cast %swap3A_679 : i32 to index
        %swap3A_681 = arith.constant 112 : index
        %swap3A_682 = tpu.vector_load %arg12[%swap3A_680, %swap3A_681] {strides = array<i32>} : memref<1x416xi32, #tpu.memory_space<vmem>>, vector<16xi32>,
        tpu.vector_store %arg12[%swap3A_680, %swap3A_681], %and3A_678 {strides = array<i32>} : memref<1x416xi32, #tpu.memory_space<vmem>>, vector<16xi32>,
        %mul3A_683 = arith.constant 416 : i32
        %mul3A_684 = arith.muli %add3A_522, %mul3A_683 : i32
        %add3A_685 = arith.constant 128 : i32
        %add3A_686 = arith.addi %mul3A_684, %add3A_685 : i32
        %get3A_687 = arith.index_cast %add3A_686 : i32 to index
        %get3A_688 = tpu.vector_load %arg8[%get3A_687] {strides = array<i32>} : memref<13312xi32, #tpu.memory_space<vmem>>, vector<16xi32>,
        %shift_right_arithmetic3A_689 = arith.constant 6 : i32
        %shift_right_arithmetic3A_690 = vector.broadcast %shift_right_arithmetic3A_689 : i32 to vector<16xi32>
        %shift_right_arithmetic3A_691 = arith.shrsi %get3A_688, %shift_right_arithmetic3A_690 : vector<16xi32>
        %swap3A_692 = arith.constant 0 : i32
        %swap3A_693 = arith.index_cast %swap3A_692 : i32 to index
        %swap3A_694 = arith.constant 128 : index
        %swap3A_695 = tpu.vector_load %arg10[%swap3A_693, %swap3A_694] {strides = array<i32>} : memref<1x416xi32, #tpu.memory_space<vmem>>, vector<16xi32>,
        tpu.vector_store %arg10[%swap3A_693, %swap3A_694], %shift_right_arithmetic3A_691 {strides = array<i32>} : memref<1x416xi32, #tpu.memory_space<vmem>>, vector<16xi32>,
        %and3A_696 = arith.constant 63 : i32
        %and3A_697 = vector.broadcast %and3A_696 : i32 to vector<16xi32>
        %and3A_698 = arith.andi %get3A_688, %and3A_697 : vector<16xi32>
        %swap3A_699 = arith.constant 0 : i32
        %swap3A_700 = arith.index_cast %swap3A_699 : i32 to index
        %swap3A_701 = arith.constant 128 : index
        %swap3A_702 = tpu.vector_load %arg12[%swap3A_700, %swap3A_701] {strides = array<i32>} : memref<1x416xi32, #tpu.memory_space<vmem>>, vector<16xi32>,
        tpu.vector_store %arg12[%swap3A_700, %swap3A_701], %and3A_698 {strides = array<i32>} : memref<1x416xi32, #tpu.memory_space<vmem>>, vector<16xi32>,
        %mul3A_703 = arith.constant 416 : i32
        %mul3A_704 = arith.muli %add3A_522, %mul3A_703 : i32
        %add3A_705 = arith.constant 144 : i32
        %add3A_706 = arith.addi %mul3A_704, %add3A_705 : i32
        %get3A_707 = arith.index_cast %add3A_706 : i32 to index
        %get3A_708 = tpu.vector_load %arg8[%get3A_707] {strides = array<i32>} : memref<13312xi32, #tpu.memory_space<vmem>>, vector<16xi32>,
        %shift_right_arithmetic3A_709 = arith.constant 6 : i32
        %shift_right_arithmetic3A_710 = vector.broadcast %shift_right_arithmetic3A_709 : i32 to vector<16xi32>
        %shift_right_arithmetic3A_711 = arith.shrsi %get3A_708, %shift_right_arithmetic3A_710 : vector<16xi32>
        %swap3A_712 = arith.constant 0 : i32
        %swap3A_713 = arith.index_cast %swap3A_712 : i32 to index
        %swap3A_714 = arith.constant 144 : index
        %swap3A_715 = tpu.vector_load %arg10[%swap3A_713, %swap3A_714] {strides = array<i32>} : memref<1x416xi32, #tpu.memory_space<vmem>>, vector<16xi32>,
        tpu.vector_store %arg10[%swap3A_713, %swap3A_714], %shift_right_arithmetic3A_711 {strides = array<i32>} : memref<1x416xi32, #tpu.memory_space<vmem>>, vector<16xi32>,
        %and3A_716 = arith.constant 63 : i32
        %and3A_717 = vector.broadcast %and3A_716 : i32 to vector<16xi32>
        %and3A_718 = arith.andi %get3A_708, %and3A_717 : vector<16xi32>
        %swap3A_719 = arith.constant 0 : i32
        %swap3A_720 = arith.index_cast %swap3A_719 : i32 to index
        %swap3A_721 = arith.constant 144 : index
        %swap3A_722 = tpu.vector_load %arg12[%swap3A_720, %swap3A_721] {strides = array<i32>} : memref<1x416xi32, #tpu.memory_space<vmem>>, vector<16xi32>,
        tpu.vector_store %arg12[%swap3A_720, %swap3A_721], %and3A_718 {strides = array<i32>} : memref<1x416xi32, #tpu.memory_space<vmem>>, vector<16xi32>,
        %mul3A_723 = arith.constant 416 : i32
        %mul3A_724 = arith.muli %add3A_522, %mul3A_723 : i32
        %add3A_725 = arith.constant 160 : i32
        %add3A_726 = arith.addi %mul3A_724, %add3A_725 : i32
        %get3A_727 = arith.index_cast %add3A_726 : i32 to index
        %get3A_728 = tpu.vector_load %arg8[%get3A_727] {strides = array<i32>} : memref<13312xi32, #tpu.memory_space<vmem>>, vector<16xi32>,
        %shift_right_arithmetic3A_729 = arith.constant 6 : i32
        %shift_right_arithmetic3A_730 = vector.broadcast %shift_right_arithmetic3A_729 : i32 to vector<16xi32>
        %shift_right_arithmetic3A_731 = arith.shrsi %get3A_728, %shift_right_arithmetic3A_730 : vector<16xi32>
        %swap3A_732 = arith.constant 0 : i32
        %swap3A_733 = arith.index_cast %swap3A_732 : i32 to index
        %swap3A_734 = arith.constant 160 : index
        %swap3A_735 = tpu.vector_load %arg10[%swap3A_733, %swap3A_734] {strides = array<i32>} : memref<1x416xi32, #tpu.memory_space<vmem>>, vector<16xi32>,
        tpu.vector_store %arg10[%swap3A_733, %swap3A_734], %shift_right_arithmetic3A_731 {strides = array<i32>} : memref<1x416xi32, #tpu.memory_space<vmem>>, vector<16xi32>,
        %and3A_736 = arith.constant 63 : i32
        %and3A_737 = vector.broadcast %and3A_736 : i32 to vector<16xi32>
        %and3A_738 = arith.andi %get3A_728, %and3A_737 : vector<16xi32>
        %swap3A_739 = arith.constant 0 : i32
        %swap3A_740 = arith.index_cast %swap3A_739 : i32 to index
        %swap3A_741 = arith.constant 160 : index
        %swap3A_742 = tpu.vector_load %arg12[%swap3A_740, %swap3A_741] {strides = array<i32>} : memref<1x416xi32, #tpu.memory_space<vmem>>, vector<16xi32>,
        tpu.vector_store %arg12[%swap3A_740, %swap3A_741], %and3A_738 {strides = array<i32>} : memref<1x416xi32, #tpu.memory_space<vmem>>, vector<16xi32>,
        %mul3A_743 = arith.constant 416 : i32
        %mul3A_744 = arith.muli %add3A_522, %mul3A_743 : i32
        %add3A_745 = arith.constant 176 : i32
        %add3A_746 = arith.addi %mul3A_744, %add3A_745 : i32
        %get3A_747 = arith.index_cast %add3A_746 : i32 to index
        %get3A_748 = tpu.vector_load %arg8[%get3A_747] {strides = array<i32>} : memref<13312xi32, #tpu.memory_space<vmem>>, vector<16xi32>,
        %shift_right_arithmetic3A_749 = arith.constant 6 : i32
        %shift_right_arithmetic3A_750 = vector.broadcast %shift_right_arithmetic3A_749 : i32 to vector<16xi32>
        %shift_right_arithmetic3A_751 = arith.shrsi %get3A_748, %shift_right_arithmetic3A_750 : vector<16xi32>
        %swap3A_752 = arith.constant 0 : i32
        %swap3A_753 = arith.index_cast %swap3A_752 : i32 to index
        %swap3A_754 = arith.constant 176 : index
        %swap3A_755 = tpu.vector_load %arg10[%swap3A_753, %swap3A_754] {strides = array<i32>} : memref<1x416xi32, #tpu.memory_space<vmem>>, vector<16xi32>,
        tpu.vector_store %arg10[%swap3A_753, %swap3A_754], %shift_right_arithmetic3A_751 {strides = array<i32>} : memref<1x416xi32, #tpu.memory_space<vmem>>, vector<16xi32>,
        %and3A_756 = arith.constant 63 : i32
        %and3A_757 = vector.broadcast %and3A_756 : i32 to vector<16xi32>
        %and3A_758 = arith.andi %get3A_748, %and3A_757 : vector<16xi32>
        %swap3A_759 = arith.constant 0 : i32
        %swap3A_760 = arith.index_cast %swap3A_759 : i32 to index
        %swap3A_761 = arith.constant 176 : index
        %swap3A_762 = tpu.vector_load %arg12[%swap3A_760, %swap3A_761] {strides = array<i32>} : memref<1x416xi32, #tpu.memory_space<vmem>>, vector<16xi32>,
        tpu.vector_store %arg12[%swap3A_760, %swap3A_761], %and3A_758 {strides = array<i32>} : memref<1x416xi32, #tpu.memory_space<vmem>>, vector<16xi32>,
        %mul3A_763 = arith.constant 416 : i32
        %mul3A_764 = arith.muli %add3A_522, %mul3A_763 : i32
        %add3A_765 = arith.constant 192 : i32
        %add3A_766 = arith.addi %mul3A_764, %add3A_765 : i32
        %get3A_767 = arith.index_cast %add3A_766 : i32 to index
        %get3A_768 = tpu.vector_load %arg8[%get3A_767] {strides = array<i32>} : memref<13312xi32, #tpu.memory_space<vmem>>, vector<16xi32>,
        %shift_right_arithmetic3A_769 = arith.constant 6 : i32
        %shift_right_arithmetic3A_770 = vector.broadcast %shift_right_arithmetic3A_769 : i32 to vector<16xi32>
        %shift_right_arithmetic3A_771 = arith.shrsi %get3A_768, %shift_right_arithmetic3A_770 : vector<16xi32>
        %swap3A_772 = arith.constant 0 : i32
        %swap3A_773 = arith.index_cast %swap3A_772 : i32 to index
        %swap3A_774 = arith.constant 192 : index
        %swap3A_775 = tpu.vector_load %arg10[%swap3A_773, %swap3A_774] {strides = array<i32>} : memref<1x416xi32, #tpu.memory_space<vmem>>, vector<16xi32>,
        tpu.vector_store %arg10[%swap3A_773, %swap3A_774], %shift_right_arithmetic3A_771 {strides = array<i32>} : memref<1x416xi32, #tpu.memory_space<vmem>>, vector<16xi32>,
        %and3A_776 = arith.constant 63 : i32
        %and3A_777 = vector.broadcast %and3A_776 : i32 to vector<16xi32>
        %and3A_778 = arith.andi %get3A_768, %and3A_777 : vector<16xi32>
        %swap3A_779 = arith.constant 0 : i32
        %swap3A_780 = arith.index_cast %swap3A_779 : i32 to index
        %swap3A_781 = arith.constant 192 : index
        %swap3A_782 = tpu.vector_load %arg12[%swap3A_780, %swap3A_781] {strides = array<i32>} : memref<1x416xi32, #tpu.memory_space<vmem>>, vector<16xi32>,
        tpu.vector_store %arg12[%swap3A_780, %swap3A_781], %and3A_778 {strides = array<i32>} : memref<1x416xi32, #tpu.memory_space<vmem>>, vector<16xi32>,
        %mul3A_783 = arith.constant 416 : i32
        %mul3A_784 = arith.muli %add3A_522, %mul3A_783 : i32
        %add3A_785 = arith.constant 208 : i32
        %add3A_786 = arith.addi %mul3A_784, %add3A_785 : i32
        %get3A_787 = arith.index_cast %add3A_786 : i32 to index
        %get3A_788 = tpu.vector_load %arg8[%get3A_787] {strides = array<i32>} : memref<13312xi32, #tpu.memory_space<vmem>>, vector<16xi32>,
        %shift_right_arithmetic3A_789 = arith.constant 6 : i32
        %shift_right_arithmetic3A_790 = vector.broadcast %shift_right_arithmetic3A_789 : i32 to vector<16xi32>
        %shift_right_arithmetic3A_791 = arith.shrsi %get3A_788, %shift_right_arithmetic3A_790 : vector<16xi32>
        %swap3A_792 = arith.constant 0 : i32
        %swap3A_793 = arith.index_cast %swap3A_792 : i32 to index
        %swap3A_794 = arith.constant 208 : index
        %swap3A_795 = tpu.vector_load %arg10[%swap3A_793, %swap3A_794] {strides = array<i32>} : memref<1x416xi32, #tpu.memory_space<vmem>>, vector<16xi32>,
        tpu.vector_store %arg10[%swap3A_793, %swap3A_794], %shift_right_arithmetic3A_791 {strides = array<i32>} : memref<1x416xi32, #tpu.memory_space<vmem>>, vector<16xi32>,
        %and3A_796 = arith.constant 63 : i32
        %and3A_797 = vector.broadcast %and3A_796 : i32 to vector<16xi32>
        %and3A_798 = arith.andi %get3A_788, %and3A_797 : vector<16xi32>
        %swap3A_799 = arith.constant 0 : i32
        %swap3A_800 = arith.index_cast %swap3A_799 : i32 to index
        %swap3A_801 = arith.constant 208 : index
        %swap3A_802 = tpu.vector_load %arg12[%swap3A_800, %swap3A_801] {strides = array<i32>} : memref<1x416xi32, #tpu.memory_space<vmem>>, vector<16xi32>,
        tpu.vector_store %arg12[%swap3A_800, %swap3A_801], %and3A_798 {strides = array<i32>} : memref<1x416xi32, #tpu.memory_space<vmem>>, vector<16xi32>,
        %mul3A_803 = arith.constant 416 : i32
        %mul3A_804 = arith.muli %add3A_522, %mul3A_803 : i32
        %add3A_805 = arith.constant 224 : i32
        %add3A_806 = arith.addi %mul3A_804, %add3A_805 : i32
        %get3A_807 = arith.index_cast %add3A_806 : i32 to index
        %get3A_808 = tpu.vector_load %arg8[%get3A_807] {strides = array<i32>} : memref<13312xi32, #tpu.memory_space<vmem>>, vector<16xi32>,
        %shift_right_arithmetic3A_809 = arith.constant 6 : i32
        %shift_right_arithmetic3A_810 = vector.broadcast %shift_right_arithmetic3A_809 : i32 to vector<16xi32>
        %shift_right_arithmetic3A_811 = arith.shrsi %get3A_808, %shift_right_arithmetic3A_810 : vector<16xi32>
        %swap3A_812 = arith.constant 0 : i32
        %swap3A_813 = arith.index_cast %swap3A_812 : i32 to index
        %swap3A_814 = arith.constant 224 : index
        %swap3A_815 = tpu.vector_load %arg10[%swap3A_813, %swap3A_814] {strides = array<i32>} : memref<1x416xi32, #tpu.memory_space<vmem>>, vector<16xi32>,
        tpu.vector_store %arg10[%swap3A_813, %swap3A_814], %shift_right_arithmetic3A_811 {strides = array<i32>} : memref<1x416xi32, #tpu.memory_space<vmem>>, vector<16xi32>,
        %and3A_816 = arith.constant 63 : i32
        %and3A_817 = vector.broadcast %and3A_816 : i32 to vector<16xi32>
        %and3A_818 = arith.andi %get3A_808, %and3A_817 : vector<16xi32>
        %swap3A_819 = arith.constant 0 : i32
        %swap3A_820 = arith.index_cast %swap3A_819 : i32 to index
        %swap3A_821 = arith.constant 224 : index
        %swap3A_822 = tpu.vector_load %arg12[%swap3A_820, %swap3A_821] {strides = array<i32>} : memref<1x416xi32, #tpu.memory_space<vmem>>, vector<16xi32>,
        tpu.vector_store %arg12[%swap3A_820, %swap3A_821], %and3A_818 {strides = array<i32>} : memref<1x416xi32, #tpu.memory_space<vmem>>, vector<16xi32>,
        %mul3A_823 = arith.constant 416 : i32
        %mul3A_824 = arith.muli %add3A_522, %mul3A_823 : i32
        %add3A_825 = arith.constant 240 : i32
        %add3A_826 = arith.addi %mul3A_824, %add3A_825 : i32
        %get3A_827 = arith.index_cast %add3A_826 : i32 to index
        %get3A_828 = tpu.vector_load %arg8[%get3A_827] {strides = array<i32>} : memref<13312xi32, #tpu.memory_space<vmem>>, vector<16xi32>,
        %shift_right_arithmetic3A_829 = arith.constant 6 : i32
        %shift_right_arithmetic3A_830 = vector.broadcast %shift_right_arithmetic3A_829 : i32 to vector<16xi32>
        %shift_right_arithmetic3A_831 = arith.shrsi %get3A_828, %shift_right_arithmetic3A_830 : vector<16xi32>
        %swap3A_832 = arith.constant 0 : i32
        %swap3A_833 = arith.index_cast %swap3A_832 : i32 to index
        %swap3A_834 = arith.constant 240 : index
        %swap3A_835 = tpu.vector_load %arg10[%swap3A_833, %swap3A_834] {strides = array<i32>} : memref<1x416xi32, #tpu.memory_space<vmem>>, vector<16xi32>,
        tpu.vector_store %arg10[%swap3A_833, %swap3A_834], %shift_right_arithmetic3A_831 {strides = array<i32>} : memref<1x416xi32, #tpu.memory_space<vmem>>, vector<16xi32>,
        %and3A_836 = arith.constant 63 : i32
        %and3A_837 = vector.broadcast %and3A_836 : i32 to vector<16xi32>
        %and3A_838 = arith.andi %get3A_828, %and3A_837 : vector<16xi32>
        %swap3A_839 = arith.constant 0 : i32
        %swap3A_840 = arith.index_cast %swap3A_839 : i32 to index
        %swap3A_841 = arith.constant 240 : index
        %swap3A_842 = tpu.vector_load %arg12[%swap3A_840, %swap3A_841] {strides = array<i32>} : memref<1x416xi32, #tpu.memory_space<vmem>>, vector<16xi32>,
        tpu.vector_store %arg12[%swap3A_840, %swap3A_841], %and3A_838 {strides = array<i32>} : memref<1x416xi32, #tpu.memory_space<vmem>>, vector<16xi32>,
        %mul3A_843 = arith.constant 416 : i32
        %mul3A_844 = arith.muli %add3A_522, %mul3A_843 : i32
        %add3A_845 = arith.constant 256 : i32
        %add3A_846 = arith.addi %mul3A_844, %add3A_845 : i32
        %get3A_847 = arith.index_cast %add3A_846 : i32 to index
        %get3A_848 = tpu.vector_load %arg8[%get3A_847] {strides = array<i32>} : memref<13312xi32, #tpu.memory_space<vmem>>, vector<16xi32>,
        %shift_right_arithmetic3A_849 = arith.constant 6 : i32
        %shift_right_arithmetic3A_850 = vector.broadcast %shift_right_arithmetic3A_849 : i32 to vector<16xi32>
        %shift_right_arithmetic3A_851 = arith.shrsi %get3A_848, %shift_right_arithmetic3A_850 : vector<16xi32>
        %swap3A_852 = arith.constant 0 : i32
        %swap3A_853 = arith.index_cast %swap3A_852 : i32 to index
        %swap3A_854 = arith.constant 256 : index
        %swap3A_855 = tpu.vector_load %arg10[%swap3A_853, %swap3A_854] {strides = array<i32>} : memref<1x416xi32, #tpu.memory_space<vmem>>, vector<16xi32>,
        tpu.vector_store %arg10[%swap3A_853, %swap3A_854], %shift_right_arithmetic3A_851 {strides = array<i32>} : memref<1x416xi32, #tpu.memory_space<vmem>>, vector<16xi32>,
        %and3A_856 = arith.constant 63 : i32
        %and3A_857 = vector.broadcast %and3A_856 : i32 to vector<16xi32>
        %and3A_858 = arith.andi %get3A_848, %and3A_857 : vector<16xi32>
        %swap3A_859 = arith.constant 0 : i32
        %swap3A_860 = arith.index_cast %swap3A_859 : i32 to index
        %swap3A_861 = arith.constant 256 : index
        %swap3A_862 = tpu.vector_load %arg12[%swap3A_860, %swap3A_861] {strides = array<i32>} : memref<1x416xi32, #tpu.memory_space<vmem>>, vector<16xi32>,
        tpu.vector_store %arg12[%swap3A_860, %swap3A_861], %and3A_858 {strides = array<i32>} : memref<1x416xi32, #tpu.memory_space<vmem>>, vector<16xi32>,
        %mul3A_863 = arith.constant 416 : i32
        %mul3A_864 = arith.muli %add3A_522, %mul3A_863 : i32
        %add3A_865 = arith.constant 272 : i32
        %add3A_866 = arith.addi %mul3A_864, %add3A_865 : i32
        %get3A_867 = arith.index_cast %add3A_866 : i32 to index
        %get3A_868 = tpu.vector_load %arg8[%get3A_867] {strides = array<i32>} : memref<13312xi32, #tpu.memory_space<vmem>>, vector<16xi32>,
        %shift_right_arithmetic3A_869 = arith.constant 6 : i32
        %shift_right_arithmetic3A_870 = vector.broadcast %shift_right_arithmetic3A_869 : i32 to vector<16xi32>
        %shift_right_arithmetic3A_871 = arith.shrsi %get3A_868, %shift_right_arithmetic3A_870 : vector<16xi32>
        %swap3A_872 = arith.constant 0 : i32
        %swap3A_873 = arith.index_cast %swap3A_872 : i32 to index
        %swap3A_874 = arith.constant 272 : index
        %swap3A_875 = tpu.vector_load %arg10[%swap3A_873, %swap3A_874] {strides = array<i32>} : memref<1x416xi32, #tpu.memory_space<vmem>>, vector<16xi32>,
        tpu.vector_store %arg10[%swap3A_873, %swap3A_874], %shift_right_arithmetic3A_871 {strides = array<i32>} : memref<1x416xi32, #tpu.memory_space<vmem>>, vector<16xi32>,
        %and3A_876 = arith.constant 63 : i32
        %and3A_877 = vector.broadcast %and3A_876 : i32 to vector<16xi32>
        %and3A_878 = arith.andi %get3A_868, %and3A_877 : vector<16xi32>
        %swap3A_879 = arith.constant 0 : i32
        %swap3A_880 = arith.index_cast %swap3A_879 : i32 to index
        %swap3A_881 = arith.constant 272 : index
        %swap3A_882 = tpu.vector_load %arg12[%swap3A_880, %swap3A_881] {strides = array<i32>} : memref<1x416xi32, #tpu.memory_space<vmem>>, vector<16xi32>,
        tpu.vector_store %arg12[%swap3A_880, %swap3A_881], %and3A_878 {strides = array<i32>} : memref<1x416xi32, #tpu.memory_space<vmem>>, vector<16xi32>,
        %mul3A_883 = arith.constant 416 : i32
        %mul3A_884 = arith.muli %add3A_522, %mul3A_883 : i32
        %add3A_885 = arith.constant 288 : i32
        %add3A_886 = arith.addi %mul3A_884, %add3A_885 : i32
        %get3A_887 = arith.index_cast %add3A_886 : i32 to index
        %get3A_888 = tpu.vector_load %arg8[%get3A_887] {strides = array<i32>} : memref<13312xi32, #tpu.memory_space<vmem>>, vector<16xi32>,
        %shift_right_arithmetic3A_889 = arith.constant 6 : i32
        %shift_right_arithmetic3A_890 = vector.broadcast %shift_right_arithmetic3A_889 : i32 to vector<16xi32>
        %shift_right_arithmetic3A_891 = arith.shrsi %get3A_888, %shift_right_arithmetic3A_890 : vector<16xi32>
        %swap3A_892 = arith.constant 0 : i32
        %swap3A_893 = arith.index_cast %swap3A_892 : i32 to index
        %swap3A_894 = arith.constant 288 : index
        %swap3A_895 = tpu.vector_load %arg10[%swap3A_893, %swap3A_894] {strides = array<i32>} : memref<1x416xi32, #tpu.memory_space<vmem>>, vector<16xi32>,
        tpu.vector_store %arg10[%swap3A_893, %swap3A_894], %shift_right_arithmetic3A_891 {strides = array<i32>} : memref<1x416xi32, #tpu.memory_space<vmem>>, vector<16xi32>,
        %and3A_896 = arith.constant 63 : i32
        %and3A_897 = vector.broadcast %and3A_896 : i32 to vector<16xi32>
        %and3A_898 = arith.andi %get3A_888, %and3A_897 : vector<16xi32>
        %swap3A_899 = arith.constant 0 : i32
        %swap3A_900 = arith.index_cast %swap3A_899 : i32 to index
        %swap3A_901 = arith.constant 288 : index
        %swap3A_902 = tpu.vector_load %arg12[%swap3A_900, %swap3A_901] {strides = array<i32>} : memref<1x416xi32, #tpu.memory_space<vmem>>, vector<16xi32>,
        tpu.vector_store %arg12[%swap3A_900, %swap3A_901], %and3A_898 {strides = array<i32>} : memref<1x416xi32, #tpu.memory_space<vmem>>, vector<16xi32>,
        %mul3A_903 = arith.constant 416 : i32
        %mul3A_904 = arith.muli %add3A_522, %mul3A_903 : i32
        %add3A_905 = arith.constant 304 : i32
        %add3A_906 = arith.addi %mul3A_904, %add3A_905 : i32
        %get3A_907 = arith.index_cast %add3A_906 : i32 to index
        %get3A_908 = tpu.vector_load %arg8[%get3A_907] {strides = array<i32>} : memref<13312xi32, #tpu.memory_space<vmem>>, vector<16xi32>,
        %shift_right_arithmetic3A_909 = arith.constant 6 : i32
        %shift_right_arithmetic3A_910 = vector.broadcast %shift_right_arithmetic3A_909 : i32 to vector<16xi32>
        %shift_right_arithmetic3A_911 = arith.shrsi %get3A_908, %shift_right_arithmetic3A_910 : vector<16xi32>
        %swap3A_912 = arith.constant 0 : i32
        %swap3A_913 = arith.index_cast %swap3A_912 : i32 to index
        %swap3A_914 = arith.constant 304 : index
        %swap3A_915 = tpu.vector_load %arg10[%swap3A_913, %swap3A_914] {strides = array<i32>} : memref<1x416xi32, #tpu.memory_space<vmem>>, vector<16xi32>,
        tpu.vector_store %arg10[%swap3A_913, %swap3A_914], %shift_right_arithmetic3A_911 {strides = array<i32>} : memref<1x416xi32, #tpu.memory_space<vmem>>, vector<16xi32>,
        %and3A_916 = arith.constant 63 : i32
        %and3A_917 = vector.broadcast %and3A_916 : i32 to vector<16xi32>
        %and3A_918 = arith.andi %get3A_908, %and3A_917 : vector<16xi32>
        %swap3A_919 = arith.constant 0 : i32
        %swap3A_920 = arith.index_cast %swap3A_919 : i32 to index
        %swap3A_921 = arith.constant 304 : index
        %swap3A_922 = tpu.vector_load %arg12[%swap3A_920, %swap3A_921] {strides = array<i32>} : memref<1x416xi32, #tpu.memory_space<vmem>>, vector<16xi32>,
        tpu.vector_store %arg12[%swap3A_920, %swap3A_921], %and3A_918 {strides = array<i32>} : memref<1x416xi32, #tpu.memory_space<vmem>>, vector<16xi32>,
        %mul3A_923 = arith.constant 416 : i32
        %mul3A_924 = arith.muli %add3A_522, %mul3A_923 : i32
        %add3A_925 = arith.constant 320 : i32
        %add3A_926 = arith.addi %mul3A_924, %add3A_925 : i32
        %get3A_927 = arith.index_cast %add3A_926 : i32 to index
        %get3A_928 = tpu.vector_load %arg8[%get3A_927] {strides = array<i32>} : memref<13312xi32, #tpu.memory_space<vmem>>, vector<16xi32>,
        %shift_right_arithmetic3A_929 = arith.constant 6 : i32
        %shift_right_arithmetic3A_930 = vector.broadcast %shift_right_arithmetic3A_929 : i32 to vector<16xi32>
        %shift_right_arithmetic3A_931 = arith.shrsi %get3A_928, %shift_right_arithmetic3A_930 : vector<16xi32>
        %swap3A_932 = arith.constant 0 : i32
        %swap3A_933 = arith.index_cast %swap3A_932 : i32 to index
        %swap3A_934 = arith.constant 320 : index
        %swap3A_935 = tpu.vector_load %arg10[%swap3A_933, %swap3A_934] {strides = array<i32>} : memref<1x416xi32, #tpu.memory_space<vmem>>, vector<16xi32>,
        tpu.vector_store %arg10[%swap3A_933, %swap3A_934], %shift_right_arithmetic3A_931 {strides = array<i32>} : memref<1x416xi32, #tpu.memory_space<vmem>>, vector<16xi32>,
        %and3A_936 = arith.constant 63 : i32
        %and3A_937 = vector.broadcast %and3A_936 : i32 to vector<16xi32>
        %and3A_938 = arith.andi %get3A_928, %and3A_937 : vector<16xi32>
        %swap3A_939 = arith.constant 0 : i32
        %swap3A_940 = arith.index_cast %swap3A_939 : i32 to index
        %swap3A_941 = arith.constant 320 : index
        %swap3A_942 = tpu.vector_load %arg12[%swap3A_940, %swap3A_941] {strides = array<i32>} : memref<1x416xi32, #tpu.memory_space<vmem>>, vector<16xi32>,
        tpu.vector_store %arg12[%swap3A_940, %swap3A_941], %and3A_938 {strides = array<i32>} : memref<1x416xi32, #tpu.memory_space<vmem>>, vector<16xi32>,
        %mul3A_943 = arith.constant 416 : i32
        %mul3A_944 = arith.muli %add3A_522, %mul3A_943 : i32
        %add3A_945 = arith.constant 336 : i32
        %add3A_946 = arith.addi %mul3A_944, %add3A_945 : i32
        %get3A_947 = arith.index_cast %add3A_946 : i32 to index
        %get3A_948 = tpu.vector_load %arg8[%get3A_947] {strides = array<i32>} : memref<13312xi32, #tpu.memory_space<vmem>>, vector<16xi32>,
        %shift_right_arithmetic3A_949 = arith.constant 6 : i32
        %shift_right_arithmetic3A_950 = vector.broadcast %shift_right_arithmetic3A_949 : i32 to vector<16xi32>
        %shift_right_arithmetic3A_951 = arith.shrsi %get3A_948, %shift_right_arithmetic3A_950 : vector<16xi32>
        %swap3A_952 = arith.constant 0 : i32
        %swap3A_953 = arith.index_cast %swap3A_952 : i32 to index
        %swap3A_954 = arith.constant 336 : index
        %swap3A_955 = tpu.vector_load %arg10[%swap3A_953, %swap3A_954] {strides = array<i32>} : memref<1x416xi32, #tpu.memory_space<vmem>>, vector<16xi32>,
        tpu.vector_store %arg10[%swap3A_953, %swap3A_954], %shift_right_arithmetic3A_951 {strides = array<i32>} : memref<1x416xi32, #tpu.memory_space<vmem>>, vector<16xi32>,
        %and3A_956 = arith.constant 63 : i32
        %and3A_957 = vector.broadcast %and3A_956 : i32 to vector<16xi32>
        %and3A_958 = arith.andi %get3A_948, %and3A_957 : vector<16xi32>
        %swap3A_959 = arith.constant 0 : i32
        %swap3A_960 = arith.index_cast %swap3A_959 : i32 to index
        %swap3A_961 = arith.constant 336 : index
        %swap3A_962 = tpu.vector_load %arg12[%swap3A_960, %swap3A_961] {strides = array<i32>} : memref<1x416xi32, #tpu.memory_space<vmem>>, vector<16xi32>,
        tpu.vector_store %arg12[%swap3A_960, %swap3A_961], %and3A_958 {strides = array<i32>} : memref<1x416xi32, #tpu.memory_space<vmem>>, vector<16xi32>,
        %mul3A_963 = arith.constant 416 : i32
        %mul3A_964 = arith.muli %add3A_522, %mul3A_963 : i32
        %add3A_965 = arith.constant 352 : i32
        %add3A_966 = arith.addi %mul3A_964, %add3A_965 : i32
        %get3A_967 = arith.index_cast %add3A_966 : i32 to index
        %get3A_968 = tpu.vector_load %arg8[%get3A_967] {strides = array<i32>} : memref<13312xi32, #tpu.memory_space<vmem>>, vector<16xi32>,
        %shift_right_arithmetic3A_969 = arith.constant 6 : i32
        %shift_right_arithmetic3A_970 = vector.broadcast %shift_right_arithmetic3A_969 : i32 to vector<16xi32>
        %shift_right_arithmetic3A_971 = arith.shrsi %get3A_968, %shift_right_arithmetic3A_970 : vector<16xi32>
        %swap3A_972 = arith.constant 0 : i32
        %swap3A_973 = arith.index_cast %swap3A_972 : i32 to index
        %swap3A_974 = arith.constant 352 : index
        %swap3A_975 = tpu.vector_load %arg10[%swap3A_973, %swap3A_974] {strides = array<i32>} : memref<1x416xi32, #tpu.memory_space<vmem>>, vector<16xi32>,
        tpu.vector_store %arg10[%swap3A_973, %swap3A_974], %shift_right_arithmetic3A_971 {strides = array<i32>} : memref<1x416xi32, #tpu.memory_space<vmem>>, vector<16xi32>,
        %and3A_976 = arith.constant 63 : i32
        %and3A_977 = vector.broadcast %and3A_976 : i32 to vector<16xi32>
        %and3A_978 = arith.andi %get3A_968, %and3A_977 : vector<16xi32>
        %swap3A_979 = arith.constant 0 : i32
        %swap3A_980 = arith.index_cast %swap3A_979 : i32 to index
        %swap3A_981 = arith.constant 352 : index
        %swap3A_982 = tpu.vector_load %arg12[%swap3A_980, %swap3A_981] {strides = array<i32>} : memref<1x416xi32, #tpu.memory_space<vmem>>, vector<16xi32>,
        tpu.vector_store %arg12[%swap3A_980, %swap3A_981], %and3A_978 {strides = array<i32>} : memref<1x416xi32, #tpu.memory_space<vmem>>, vector<16xi32>,
        %mul3A_983 = arith.constant 416 : i32
        %mul3A_984 = arith.muli %add3A_522, %mul3A_983 : i32
        %add3A_985 = arith.constant 368 : i32
        %add3A_986 = arith.addi %mul3A_984, %add3A_985 : i32
        %get3A_987 = arith.index_cast %add3A_986 : i32 to index
        %get3A_988 = tpu.vector_load %arg8[%get3A_987] {strides = array<i32>} : memref<13312xi32, #tpu.memory_space<vmem>>, vector<16xi32>,
        %shift_right_arithmetic3A_989 = arith.constant 6 : i32
        %shift_right_arithmetic3A_990 = vector.broadcast %shift_right_arithmetic3A_989 : i32 to vector<16xi32>
        %shift_right_arithmetic3A_991 = arith.shrsi %get3A_988, %shift_right_arithmetic3A_990 : vector<16xi32>
        %swap3A_992 = arith.constant 0 : i32
        %swap3A_993 = arith.index_cast %swap3A_992 : i32 to index
        %swap3A_994 = arith.constant 368 : index
        %swap3A_995 = tpu.vector_load %arg10[%swap3A_993, %swap3A_994] {strides = array<i32>} : memref<1x416xi32, #tpu.memory_space<vmem>>, vector<16xi32>,
        tpu.vector_store %arg10[%swap3A_993, %swap3A_994], %shift_right_arithmetic3A_991 {strides = array<i32>} : memref<1x416xi32, #tpu.memory_space<vmem>>, vector<16xi32>,
        %and3A_996 = arith.constant 63 : i32
        %and3A_997 = vector.broadcast %and3A_996 : i32 to vector<16xi32>
        %and3A_998 = arith.andi %get3A_988, %and3A_997 : vector<16xi32>
        %swap3A_999 = arith.constant 0 : i32
        %swap3A_1000 = arith.index_cast %swap3A_999 : i32 to index
        %swap3A_1001 = arith.constant 368 : index
        %swap3A_1002 = tpu.vector_load %arg12[%swap3A_1000, %swap3A_1001] {strides = array<i32>} : memref<1x416xi32, #tpu.memory_space<vmem>>, vector<16xi32>,
        tpu.vector_store %arg12[%swap3A_1000, %swap3A_1001], %and3A_998 {strides = array<i32>} : memref<1x416xi32, #tpu.memory_space<vmem>>, vector<16xi32>,
        %mul3A_1003 = arith.constant 416 : i32
        %mul3A_1004 = arith.muli %add3A_522, %mul3A_1003 : i32
        %add3A_1005 = arith.constant 384 : i32
        %add3A_1006 = arith.addi %mul3A_1004, %add3A_1005 : i32
        %get3A_1007 = arith.index_cast %add3A_1006 : i32 to index
        %get3A_1008 = tpu.vector_load %arg8[%get3A_1007] {strides = array<i32>} : memref<13312xi32, #tpu.memory_space<vmem>>, vector<16xi32>,
        %shift_right_arithmetic3A_1009 = arith.constant 6 : i32
        %shift_right_arithmetic3A_1010 = vector.broadcast %shift_right_arithmetic3A_1009 : i32 to vector<16xi32>
        %shift_right_arithmetic3A_1011 = arith.shrsi %get3A_1008, %shift_right_arithmetic3A_1010 : vector<16xi32>
        %swap3A_1012 = arith.constant 0 : i32
        %swap3A_1013 = arith.index_cast %swap3A_1012 : i32 to index
        %swap3A_1014 = arith.constant 384 : index
        %swap3A_1015 = tpu.vector_load %arg10[%swap3A_1013, %swap3A_1014] {strides = array<i32>} : memref<1x416xi32, #tpu.memory_space<vmem>>, vector<16xi32>,
        tpu.vector_store %arg10[%swap3A_1013, %swap3A_1014], %shift_right_arithmetic3A_1011 {strides = array<i32>} : memref<1x416xi32, #tpu.memory_space<vmem>>, vector<16xi32>,
        %and3A_1016 = arith.constant 63 : i32
        %and3A_1017 = vector.broadcast %and3A_1016 : i32 to vector<16xi32>
        %and3A_1018 = arith.andi %get3A_1008, %and3A_1017 : vector<16xi32>
        %swap3A_1019 = arith.constant 0 : i32
        %swap3A_1020 = arith.index_cast %swap3A_1019 : i32 to index
        %swap3A_1021 = arith.constant 384 : index
        %swap3A_1022 = tpu.vector_load %arg12[%swap3A_1020, %swap3A_1021] {strides = array<i32>} : memref<1x416xi32, #tpu.memory_space<vmem>>, vector<16xi32>,
        tpu.vector_store %arg12[%swap3A_1020, %swap3A_1021], %and3A_1018 {strides = array<i32>} : memref<1x416xi32, #tpu.memory_space<vmem>>, vector<16xi32>,
        %mul3A_1023 = arith.constant 416 : i32
        %mul3A_1024 = arith.muli %add3A_522, %mul3A_1023 : i32
        %add3A_1025 = arith.constant 400 : i32
        %add3A_1026 = arith.addi %mul3A_1024, %add3A_1025 : i32
        %get3A_1027 = arith.index_cast %add3A_1026 : i32 to index
        %get3A_1028 = tpu.vector_load %arg8[%get3A_1027] {strides = array<i32>} : memref<13312xi32, #tpu.memory_space<vmem>>, vector<16xi32>,
        %shift_right_arithmetic3A_1029 = arith.constant 6 : i32
        %shift_right_arithmetic3A_1030 = vector.broadcast %shift_right_arithmetic3A_1029 : i32 to vector<16xi32>
        %shift_right_arithmetic3A_1031 = arith.shrsi %get3A_1028, %shift_right_arithmetic3A_1030 : vector<16xi32>
        %swap3A_1032 = arith.constant 0 : i32
        %swap3A_1033 = arith.index_cast %swap3A_1032 : i32 to index
        %swap3A_1034 = arith.constant 400 : index
        %swap3A_1035 = tpu.vector_load %arg10[%swap3A_1033, %swap3A_1034] {strides = array<i32>} : memref<1x416xi32, #tpu.memory_space<vmem>>, vector<16xi32>,
        tpu.vector_store %arg10[%swap3A_1033, %swap3A_1034], %shift_right_arithmetic3A_1031 {strides = array<i32>} : memref<1x416xi32, #tpu.memory_space<vmem>>, vector<16xi32>,
        %and3A_1036 = arith.constant 63 : i32
        %and3A_1037 = vector.broadcast %and3A_1036 : i32 to vector<16xi32>
        %and3A_1038 = arith.andi %get3A_1028, %and3A_1037 : vector<16xi32>
        %swap3A_1039 = arith.constant 0 : i32
        %swap3A_1040 = arith.index_cast %swap3A_1039 : i32 to index
        %swap3A_1041 = arith.constant 400 : index
        %swap3A_1042 = tpu.vector_load %arg12[%swap3A_1040, %swap3A_1041] {strides = array<i32>} : memref<1x416xi32, #tpu.memory_space<vmem>>, vector<16xi32>,
        tpu.vector_store %arg12[%swap3A_1040, %swap3A_1041], %and3A_1038 {strides = array<i32>} : memref<1x416xi32, #tpu.memory_space<vmem>>, vector<16xi32>,
        %ge3A = arith.constant 1 : i32
        %ge3A_1043 = arith.cmpi sge, %add3A_447, %ge3A : i32
        %convert_element_type3A_1044 = arith.extui %ge3A_1043 : i1 to i32
        %cond3A_1045 = arith.constant 0 : i32
        %cond3A_1046 = arith.cmpi ne, %convert_element_type3A_1044, %cond3A_1045 : i32
        scf.if %cond3A_1046 {
          %sub3A = arith.constant 1 : i32
          %sub3A_1054 = arith.subi %add3A_447, %sub3A : i32
          %mul3A_1055 = arith.constant 416 : i32
          %mul3A_1056 = arith.muli %sub3A_1054, %mul3A_1055 : i32
          %add3A_1057 = arith.addi %mul3A_2, %mul3A_1056 : i32
          %dma_wait3A_1058 = arith.constant 0 : i32
          %dma_wait3A_1059 = tpu.memref_slice %arg5[%add3A_1057, %dma_wait3A_1058] : memref<425984x64xf32, #tpu.memory_space<hbm>> -> memref<416x64xf32, #tpu.memory_space<hbm>>
          %dma_wait3A_1060 = arith.constant 0 : i32
          %dma_wait3A_1061 = tpu.memref_slice %arg5[%add3A_1057, %dma_wait3A_1060] : memref<425984x64xf32, #tpu.memory_space<hbm>> -> memref<416x64xf32, #tpu.memory_space<hbm>>
          tpu.wait_dma2 semaphore(%arg21 : memref<!tpu.dma_semaphore, #tpu.memory_space<semaphore_mem>>) src(%arg14 : memref<416x64xf32, #tpu.memory_space<vmem>>) dst(%dma_wait3A_1061 : memref<416x64xf32, #tpu.memory_space<hbm>>)
        } else {
        }
        %dma_start3A_1047 = arith.constant 0 : i32
        %dma_start3A_1048 = arith.constant 0 : i32
        %dma_start3A_1049 = tpu.memref_slice %arg10[%dma_start3A_1047, %dma_start3A_1048] : memref<1x416xi32, #tpu.memory_space<vmem>> -> memref<1x416xi32, #tpu.memory_space<vmem>>
        %dma_start3A_1050 = tpu.memref_squeeze %dma_start3A_1049 : memref<1x416xi32, #tpu.memory_space<vmem>> -> memref<416xi32, #tpu.memory_space<vmem>>
        %dma_start3A_1051 = arith.constant 0 : i32
        %dma_start3A_1052 = arith.constant 0 : i32
        %dma_start3A_1053 = tpu.memref_slice %arg6[%dma_start3A_1051, %dma_start3A_1052] : memref<15627x64xf32, #tpu.memory_space<vmem_shared>> -> memref<15627x64xf32, #tpu.memory_space<vmem_shared>>
        tpu.enqueue_indirect_dma source(%dma_start3A_1053 : memref<15627x64xf32, #tpu.memory_space<vmem_shared>>) target(%arg14 : memref<416x64xf32, #tpu.memory_space<vmem>>) offsets(%dma_start3A_1050 : memref<416xi32, #tpu.memory_space<vmem>>) semaphore(%arg17 : memref<!tpu.dma_semaphore, #tpu.memory_space<semaphore_mem>>)
      } else {
      }
      %dma_wait3A_454 = arith.constant 0 : i32
      %dma_wait3A_455 = arith.constant 0 : i32
      %dma_wait3A_456 = tpu.memref_slice %arg9[%dma_wait3A_454, %dma_wait3A_455] : memref<1x416xi32, #tpu.memory_space<vmem>> -> memref<1x416xi32, #tpu.memory_space<vmem>>
      %dma_wait3A_457 = tpu.memref_squeeze %dma_wait3A_456 : memref<1x416xi32, #tpu.memory_space<vmem>> -> memref<416xi32, #tpu.memory_space<vmem>>
      %dma_wait3A_458 = arith.constant 0 : i32
      %dma_wait3A_459 = arith.constant 0 : i32
      %dma_wait3A_460 = tpu.memref_slice %arg6[%dma_wait3A_458, %dma_wait3A_459] : memref<15627x64xf32, #tpu.memory_space<vmem_shared>> -> memref<15627x64xf32, #tpu.memory_space<vmem_shared>>
      tpu.wait_indirect_dma semaphore(%arg16 : memref<!tpu.dma_semaphore, #tpu.memory_space<semaphore_mem>>) src(%dma_wait3A_460 : memref<15627x64xf32, #tpu.memory_space<vmem_shared>>) dst(%arg13 : memref<416x64xf32, #tpu.memory_space<vmem>>)
      %dma_start3A_461 = arith.constant 0 : i32
      %dma_start3A_462 = arith.constant 0 : i32
      %dma_start3A_463 = tpu.memref_slice %arg11[%dma_start3A_461, %dma_start3A_462] : memref<1x416xi32, #tpu.memory_space<vmem>> -> memref<1x416xi32, #tpu.memory_space<vmem>>
      %dma_start3A_464 = tpu.memref_squeeze %dma_start3A_463 : memref<1x416xi32, #tpu.memory_space<vmem>> -> memref<416xi32, #tpu.memory_space<vmem>>
      %dma_start3A_465 = arith.constant 0 : i32
      %dma_start3A_466 = arith.constant 0 : i32
      %dma_start3A_467 = tpu.memref_slice %arg7[%dma_start3A_465, %dma_start3A_466] : memref<64x64xf32, #tpu.memory_space<vmem_shared>> -> memref<64x64xf32, #tpu.memory_space<vmem_shared>>
      tpu.enqueue_indirect_dma source(%dma_start3A_467 : memref<64x64xf32, #tpu.memory_space<vmem_shared>>) target(%arg13 : memref<416x64xf32, #tpu.memory_space<vmem>>) offsets(%dma_start3A_464 : memref<416xi32, #tpu.memory_space<vmem>>) semaphore(%arg18 : memref<!tpu.dma_semaphore, #tpu.memory_space<semaphore_mem>>) {add = true}
      %dma_wait3A_468 = arith.constant 0 : i32
      %dma_wait3A_469 = arith.constant 0 : i32
      %dma_wait3A_470 = tpu.memref_slice %arg11[%dma_wait3A_468, %dma_wait3A_469] : memref<1x416xi32, #tpu.memory_space<vmem>> -> memref<1x416xi32, #tpu.memory_space<vmem>>
      %dma_wait3A_471 = tpu.memref_squeeze %dma_wait3A_470 : memref<1x416xi32, #tpu.memory_space<vmem>> -> memref<416xi32, #tpu.memory_space<vmem>>
      %dma_wait3A_472 = arith.constant 0 : i32
      %dma_wait3A_473 = arith.constant 0 : i32
      %dma_wait3A_474 = tpu.memref_slice %arg7[%dma_wait3A_472, %dma_wait3A_473] : memref<64x64xf32, #tpu.memory_space<vmem_shared>> -> memref<64x64xf32, #tpu.memory_space<vmem_shared>>
      tpu.wait_indirect_dma semaphore(%arg18 : memref<!tpu.dma_semaphore, #tpu.memory_space<semaphore_mem>>) src(%dma_wait3A_474 : memref<64x64xf32, #tpu.memory_space<vmem_shared>>) dst(%arg13 : memref<416x64xf32, #tpu.memory_space<vmem>>)
      %mul3A_475 = arith.constant 416 : i32
      %mul3A_476 = arith.muli %add3A_447, %mul3A_475 : i32
      %add3A_477 = arith.addi %mul3A_2, %mul3A_476 : i32
      %dma_start3A_478 = arith.constant 0 : i32
      %dma_start3A_479 = tpu.memref_slice %arg5[%add3A_477, %dma_start3A_478] : memref<425984x64xf32, #tpu.memory_space<hbm>> -> memref<416x64xf32, #tpu.memory_space<hbm>>
      %dma_start3A_480 = arith.constant 0 : i32
      %dma_start3A_481 = tpu.memref_slice %arg5[%add3A_477, %dma_start3A_480] : memref<425984x64xf32, #tpu.memory_space<hbm>> -> memref<416x64xf32, #tpu.memory_space<hbm>>
      tpu.enqueue_dma source(%arg13 : memref<416x64xf32, #tpu.memory_space<vmem>>) target(%dma_start3A_481 : memref<416x64xf32, #tpu.memory_space<hbm>>) target_semaphore(%arg20 : memref<!tpu.dma_semaphore, #tpu.memory_space<semaphore_mem>>)
      %mul3A_482 = arith.constant 2 : i32
      %mul3A_483 = arith.muli %scan3A_443, %mul3A_482 : i32
      %add3A_484 = arith.constant 1 : i32
      %add3A_485 = arith.addi %mul3A_483, %add3A_484 : i32
      %add3A_486 = arith.constant 1 : i32
      %add3A_487 = arith.addi %add3A_485, %add3A_486 : i32
      %lt3A_488 = arith.constant 32 : i32
      %lt3A_489 = arith.cmpi slt, %add3A_487, %lt3A_488 : i32
      %convert_element_type3A_490 = arith.extui %lt3A_489 : i1 to i32
      %cond3A_491 = arith.constant 0 : i32
      %cond3A_492 = arith.cmpi ne, %convert_element_type3A_490, %cond3A_491 : i32
      scf.if %cond3A_492 {
        %add3A_521 = arith.constant 1 : i32
        %add3A_522 = arith.addi %add3A_485, %add3A_521 : i32
        %mul3A_523 = arith.constant 416 : i32
        %mul3A_524 = arith.muli %add3A_522, %mul3A_523 : i32
        %add3A_525 = arith.constant 0 : i32
        %add3A_526 = arith.addi %mul3A_524, %add3A_525 : i32
        %get3A_527 = arith.index_cast %add3A_526 : i32 to index
        %get3A_528 = tpu.vector_load %arg8[%get3A_527] {strides = array<i32>} : memref<13312xi32, #tpu.memory_space<vmem>>, vector<16xi32>,
        %shift_right_arithmetic3A_529 = arith.constant 6 : i32
        %shift_right_arithmetic3A_530 = vector.broadcast %shift_right_arithmetic3A_529 : i32 to vector<16xi32>
        %shift_right_arithmetic3A_531 = arith.shrsi %get3A_528, %shift_right_arithmetic3A_530 : vector<16xi32>
        %swap3A_532 = arith.constant 0 : i32
        %swap3A_533 = arith.index_cast %swap3A_532 : i32 to index
        %swap3A_534 = arith.constant 0 : index
        %swap3A_535 = tpu.vector_load %arg9[%swap3A_533, %swap3A_534] {strides = array<i32>} : memref<1x416xi32, #tpu.memory_space<vmem>>, vector<16xi32>,
        tpu.vector_store %arg9[%swap3A_533, %swap3A_534], %shift_right_arithmetic3A_531 {strides = array<i32>} : memref<1x416xi32, #tpu.memory_space<vmem>>, vector<16xi32>,
        %and3A_536 = arith.constant 63 : i32
        %and3A_537 = vector.broadcast %and3A_536 : i32 to vector<16xi32>
        %and3A_538 = arith.andi %get3A_528, %and3A_537 : vector<16xi32>
        %swap3A_539 = arith.constant 0 : i32
        %swap3A_540 = arith.index_cast %swap3A_539 : i32 to index
        %swap3A_541 = arith.constant 0 : index
        %swap3A_542 = tpu.vector_load %arg11[%swap3A_540, %swap3A_541] {strides = array<i32>} : memref<1x416xi32, #tpu.memory_space<vmem>>, vector<16xi32>,
        tpu.vector_store %arg11[%swap3A_540, %swap3A_541], %and3A_538 {strides = array<i32>} : memref<1x416xi32, #tpu.memory_space<vmem>>, vector<16xi32>,
        %mul3A_543 = arith.constant 416 : i32
        %mul3A_544 = arith.muli %add3A_522, %mul3A_543 : i32
        %add3A_545 = arith.constant 16 : i32
        %add3A_546 = arith.addi %mul3A_544, %add3A_545 : i32
        %get3A_547 = arith.index_cast %add3A_546 : i32 to index
        %get3A_548 = tpu.vector_load %arg8[%get3A_547] {strides = array<i32>} : memref<13312xi32, #tpu.memory_space<vmem>>, vector<16xi32>,
        %shift_right_arithmetic3A_549 = arith.constant 6 : i32
        %shift_right_arithmetic3A_550 = vector.broadcast %shift_right_arithmetic3A_549 : i32 to vector<16xi32>
        %shift_right_arithmetic3A_551 = arith.shrsi %get3A_548, %shift_right_arithmetic3A_550 : vector<16xi32>
        %swap3A_552 = arith.constant 0 : i32
        %swap3A_553 = arith.index_cast %swap3A_552 : i32 to index
        %swap3A_554 = arith.constant 16 : index
        %swap3A_555 = tpu.vector_load %arg9[%swap3A_553, %swap3A_554] {strides = array<i32>} : memref<1x416xi32, #tpu.memory_space<vmem>>, vector<16xi32>,
        tpu.vector_store %arg9[%swap3A_553, %swap3A_554], %shift_right_arithmetic3A_551 {strides = array<i32>} : memref<1x416xi32, #tpu.memory_space<vmem>>, vector<16xi32>,
        %and3A_556 = arith.constant 63 : i32
        %and3A_557 = vector.broadcast %and3A_556 : i32 to vector<16xi32>
        %and3A_558 = arith.andi %get3A_548, %and3A_557 : vector<16xi32>
        %swap3A_559 = arith.constant 0 : i32
        %swap3A_560 = arith.index_cast %swap3A_559 : i32 to index
        %swap3A_561 = arith.constant 16 : index
        %swap3A_562 = tpu.vector_load %arg11[%swap3A_560, %swap3A_561] {strides = array<i32>} : memref<1x416xi32, #tpu.memory_space<vmem>>, vector<16xi32>,
        tpu.vector_store %arg11[%swap3A_560, %swap3A_561], %and3A_558 {strides = array<i32>} : memref<1x416xi32, #tpu.memory_space<vmem>>, vector<16xi32>,
        %mul3A_563 = arith.constant 416 : i32
        %mul3A_564 = arith.muli %add3A_522, %mul3A_563 : i32
        %add3A_565 = arith.constant 32 : i32
        %add3A_566 = arith.addi %mul3A_564, %add3A_565 : i32
        %get3A_567 = arith.index_cast %add3A_566 : i32 to index
        %get3A_568 = tpu.vector_load %arg8[%get3A_567] {strides = array<i32>} : memref<13312xi32, #tpu.memory_space<vmem>>, vector<16xi32>,
        %shift_right_arithmetic3A_569 = arith.constant 6 : i32
        %shift_right_arithmetic3A_570 = vector.broadcast %shift_right_arithmetic3A_569 : i32 to vector<16xi32>
        %shift_right_arithmetic3A_571 = arith.shrsi %get3A_568, %shift_right_arithmetic3A_570 : vector<16xi32>
        %swap3A_572 = arith.constant 0 : i32
        %swap3A_573 = arith.index_cast %swap3A_572 : i32 to index
        %swap3A_574 = arith.constant 32 : index
        %swap3A_575 = tpu.vector_load %arg9[%swap3A_573, %swap3A_574] {strides = array<i32>} : memref<1x416xi32, #tpu.memory_space<vmem>>, vector<16xi32>,
        tpu.vector_store %arg9[%swap3A_573, %swap3A_574], %shift_right_arithmetic3A_571 {strides = array<i32>} : memref<1x416xi32, #tpu.memory_space<vmem>>, vector<16xi32>,
        %and3A_576 = arith.constant 63 : i32
        %and3A_577 = vector.broadcast %and3A_576 : i32 to vector<16xi32>
        %and3A_578 = arith.andi %get3A_568, %and3A_577 : vector<16xi32>
        %swap3A_579 = arith.constant 0 : i32
        %swap3A_580 = arith.index_cast %swap3A_579 : i32 to index
        %swap3A_581 = arith.constant 32 : index
        %swap3A_582 = tpu.vector_load %arg11[%swap3A_580, %swap3A_581] {strides = array<i32>} : memref<1x416xi32, #tpu.memory_space<vmem>>, vector<16xi32>,
        tpu.vector_store %arg11[%swap3A_580, %swap3A_581], %and3A_578 {strides = array<i32>} : memref<1x416xi32, #tpu.memory_space<vmem>>, vector<16xi32>,
        %mul3A_583 = arith.constant 416 : i32
        %mul3A_584 = arith.muli %add3A_522, %mul3A_583 : i32
        %add3A_585 = arith.constant 48 : i32
        %add3A_586 = arith.addi %mul3A_584, %add3A_585 : i32
        %get3A_587 = arith.index_cast %add3A_586 : i32 to index
        %get3A_588 = tpu.vector_load %arg8[%get3A_587] {strides = array<i32>} : memref<13312xi32, #tpu.memory_space<vmem>>, vector<16xi32>,
        %shift_right_arithmetic3A_589 = arith.constant 6 : i32
        %shift_right_arithmetic3A_590 = vector.broadcast %shift_right_arithmetic3A_589 : i32 to vector<16xi32>
        %shift_right_arithmetic3A_591 = arith.shrsi %get3A_588, %shift_right_arithmetic3A_590 : vector<16xi32>
        %swap3A_592 = arith.constant 0 : i32
        %swap3A_593 = arith.index_cast %swap3A_592 : i32 to index
        %swap3A_594 = arith.constant 48 : index
        %swap3A_595 = tpu.vector_load %arg9[%swap3A_593, %swap3A_594] {strides = array<i32>} : memref<1x416xi32, #tpu.memory_space<vmem>>, vector<16xi32>,
        tpu.vector_store %arg9[%swap3A_593, %swap3A_594], %shift_right_arithmetic3A_591 {strides = array<i32>} : memref<1x416xi32, #tpu.memory_space<vmem>>, vector<16xi32>,
        %and3A_596 = arith.constant 63 : i32
        %and3A_597 = vector.broadcast %and3A_596 : i32 to vector<16xi32>
        %and3A_598 = arith.andi %get3A_588, %and3A_597 : vector<16xi32>
        %swap3A_599 = arith.constant 0 : i32
        %swap3A_600 = arith.index_cast %swap3A_599 : i32 to index
        %swap3A_601 = arith.constant 48 : index
        %swap3A_602 = tpu.vector_load %arg11[%swap3A_600, %swap3A_601] {strides = array<i32>} : memref<1x416xi32, #tpu.memory_space<vmem>>, vector<16xi32>,
        tpu.vector_store %arg11[%swap3A_600, %swap3A_601], %and3A_598 {strides = array<i32>} : memref<1x416xi32, #tpu.memory_space<vmem>>, vector<16xi32>,
        %mul3A_603 = arith.constant 416 : i32
        %mul3A_604 = arith.muli %add3A_522, %mul3A_603 : i32
        %add3A_605 = arith.constant 64 : i32
        %add3A_606 = arith.addi %mul3A_604, %add3A_605 : i32
        %get3A_607 = arith.index_cast %add3A_606 : i32 to index
        %get3A_608 = tpu.vector_load %arg8[%get3A_607] {strides = array<i32>} : memref<13312xi32, #tpu.memory_space<vmem>>, vector<16xi32>,
        %shift_right_arithmetic3A_609 = arith.constant 6 : i32
        %shift_right_arithmetic3A_610 = vector.broadcast %shift_right_arithmetic3A_609 : i32 to vector<16xi32>
        %shift_right_arithmetic3A_611 = arith.shrsi %get3A_608, %shift_right_arithmetic3A_610 : vector<16xi32>
        %swap3A_612 = arith.constant 0 : i32
        %swap3A_613 = arith.index_cast %swap3A_612 : i32 to index
        %swap3A_614 = arith.constant 64 : index
        %swap3A_615 = tpu.vector_load %arg9[%swap3A_613, %swap3A_614] {strides = array<i32>} : memref<1x416xi32, #tpu.memory_space<vmem>>, vector<16xi32>,
        tpu.vector_store %arg9[%swap3A_613, %swap3A_614], %shift_right_arithmetic3A_611 {strides = array<i32>} : memref<1x416xi32, #tpu.memory_space<vmem>>, vector<16xi32>,
        %and3A_616 = arith.constant 63 : i32
        %and3A_617 = vector.broadcast %and3A_616 : i32 to vector<16xi32>
        %and3A_618 = arith.andi %get3A_608, %and3A_617 : vector<16xi32>
        %swap3A_619 = arith.constant 0 : i32
        %swap3A_620 = arith.index_cast %swap3A_619 : i32 to index
        %swap3A_621 = arith.constant 64 : index
        %swap3A_622 = tpu.vector_load %arg11[%swap3A_620, %swap3A_621] {strides = array<i32>} : memref<1x416xi32, #tpu.memory_space<vmem>>, vector<16xi32>,
        tpu.vector_store %arg11[%swap3A_620, %swap3A_621], %and3A_618 {strides = array<i32>} : memref<1x416xi32, #tpu.memory_space<vmem>>, vector<16xi32>,
        %mul3A_623 = arith.constant 416 : i32
        %mul3A_624 = arith.muli %add3A_522, %mul3A_623 : i32
        %add3A_625 = arith.constant 80 : i32
        %add3A_626 = arith.addi %mul3A_624, %add3A_625 : i32
        %get3A_627 = arith.index_cast %add3A_626 : i32 to index
        %get3A_628 = tpu.vector_load %arg8[%get3A_627] {strides = array<i32>} : memref<13312xi32, #tpu.memory_space<vmem>>, vector<16xi32>,
        %shift_right_arithmetic3A_629 = arith.constant 6 : i32
        %shift_right_arithmetic3A_630 = vector.broadcast %shift_right_arithmetic3A_629 : i32 to vector<16xi32>
        %shift_right_arithmetic3A_631 = arith.shrsi %get3A_628, %shift_right_arithmetic3A_630 : vector<16xi32>
        %swap3A_632 = arith.constant 0 : i32
        %swap3A_633 = arith.index_cast %swap3A_632 : i32 to index
        %swap3A_634 = arith.constant 80 : index
        %swap3A_635 = tpu.vector_load %arg9[%swap3A_633, %swap3A_634] {strides = array<i32>} : memref<1x416xi32, #tpu.memory_space<vmem>>, vector<16xi32>,
        tpu.vector_store %arg9[%swap3A_633, %swap3A_634], %shift_right_arithmetic3A_631 {strides = array<i32>} : memref<1x416xi32, #tpu.memory_space<vmem>>, vector<16xi32>,
        %and3A_636 = arith.constant 63 : i32
        %and3A_637 = vector.broadcast %and3A_636 : i32 to vector<16xi32>
        %and3A_638 = arith.andi %get3A_628, %and3A_637 : vector<16xi32>
        %swap3A_639 = arith.constant 0 : i32
        %swap3A_640 = arith.index_cast %swap3A_639 : i32 to index
        %swap3A_641 = arith.constant 80 : index
        %swap3A_642 = tpu.vector_load %arg11[%swap3A_640, %swap3A_641] {strides = array<i32>} : memref<1x416xi32, #tpu.memory_space<vmem>>, vector<16xi32>,
        tpu.vector_store %arg11[%swap3A_640, %swap3A_641], %and3A_638 {strides = array<i32>} : memref<1x416xi32, #tpu.memory_space<vmem>>, vector<16xi32>,
        %mul3A_643 = arith.constant 416 : i32
        %mul3A_644 = arith.muli %add3A_522, %mul3A_643 : i32
        %add3A_645 = arith.constant 96 : i32
        %add3A_646 = arith.addi %mul3A_644, %add3A_645 : i32
        %get3A_647 = arith.index_cast %add3A_646 : i32 to index
        %get3A_648 = tpu.vector_load %arg8[%get3A_647] {strides = array<i32>} : memref<13312xi32, #tpu.memory_space<vmem>>, vector<16xi32>,
        %shift_right_arithmetic3A_649 = arith.constant 6 : i32
        %shift_right_arithmetic3A_650 = vector.broadcast %shift_right_arithmetic3A_649 : i32 to vector<16xi32>
        %shift_right_arithmetic3A_651 = arith.shrsi %get3A_648, %shift_right_arithmetic3A_650 : vector<16xi32>
        %swap3A_652 = arith.constant 0 : i32
        %swap3A_653 = arith.index_cast %swap3A_652 : i32 to index
        %swap3A_654 = arith.constant 96 : index
        %swap3A_655 = tpu.vector_load %arg9[%swap3A_653, %swap3A_654] {strides = array<i32>} : memref<1x416xi32, #tpu.memory_space<vmem>>, vector<16xi32>,
        tpu.vector_store %arg9[%swap3A_653, %swap3A_654], %shift_right_arithmetic3A_651 {strides = array<i32>} : memref<1x416xi32, #tpu.memory_space<vmem>>, vector<16xi32>,
        %and3A_656 = arith.constant 63 : i32
        %and3A_657 = vector.broadcast %and3A_656 : i32 to vector<16xi32>
        %and3A_658 = arith.andi %get3A_648, %and3A_657 : vector<16xi32>
        %swap3A_659 = arith.constant 0 : i32
        %swap3A_660 = arith.index_cast %swap3A_659 : i32 to index
        %swap3A_661 = arith.constant 96 : index
        %swap3A_662 = tpu.vector_load %arg11[%swap3A_660, %swap3A_661] {strides = array<i32>} : memref<1x416xi32, #tpu.memory_space<vmem>>, vector<16xi32>,
        tpu.vector_store %arg11[%swap3A_660, %swap3A_661], %and3A_658 {strides = array<i32>} : memref<1x416xi32, #tpu.memory_space<vmem>>, vector<16xi32>,
        %mul3A_663 = arith.constant 416 : i32
        %mul3A_664 = arith.muli %add3A_522, %mul3A_663 : i32
        %add3A_665 = arith.constant 112 : i32
        %add3A_666 = arith.addi %mul3A_664, %add3A_665 : i32
        %get3A_667 = arith.index_cast %add3A_666 : i32 to index
        %get3A_668 = tpu.vector_load %arg8[%get3A_667] {strides = array<i32>} : memref<13312xi32, #tpu.memory_space<vmem>>, vector<16xi32>,
        %shift_right_arithmetic3A_669 = arith.constant 6 : i32
        %shift_right_arithmetic3A_670 = vector.broadcast %shift_right_arithmetic3A_669 : i32 to vector<16xi32>
        %shift_right_arithmetic3A_671 = arith.shrsi %get3A_668, %shift_right_arithmetic3A_670 : vector<16xi32>
        %swap3A_672 = arith.constant 0 : i32
        %swap3A_673 = arith.index_cast %swap3A_672 : i32 to index
        %swap3A_674 = arith.constant 112 : index
        %swap3A_675 = tpu.vector_load %arg9[%swap3A_673, %swap3A_674] {strides = array<i32>} : memref<1x416xi32, #tpu.memory_space<vmem>>, vector<16xi32>,
        tpu.vector_store %arg9[%swap3A_673, %swap3A_674], %shift_right_arithmetic3A_671 {strides = array<i32>} : memref<1x416xi32, #tpu.memory_space<vmem>>, vector<16xi32>,
        %and3A_676 = arith.constant 63 : i32
        %and3A_677 = vector.broadcast %and3A_676 : i32 to vector<16xi32>
        %and3A_678 = arith.andi %get3A_668, %and3A_677 : vector<16xi32>
        %swap3A_679 = arith.constant 0 : i32
        %swap3A_680 = arith.index_cast %swap3A_679 : i32 to index
        %swap3A_681 = arith.constant 112 : index
        %swap3A_682 = tpu.vector_load %arg11[%swap3A_680, %swap3A_681] {strides = array<i32>} : memref<1x416xi32, #tpu.memory_space<vmem>>, vector<16xi32>,
        tpu.vector_store %arg11[%swap3A_680, %swap3A_681], %and3A_678 {strides = array<i32>} : memref<1x416xi32, #tpu.memory_space<vmem>>, vector<16xi32>,
        %mul3A_683 = arith.constant 416 : i32
        %mul3A_684 = arith.muli %add3A_522, %mul3A_683 : i32
        %add3A_685 = arith.constant 128 : i32
        %add3A_686 = arith.addi %mul3A_684, %add3A_685 : i32
        %get3A_687 = arith.index_cast %add3A_686 : i32 to index
        %get3A_688 = tpu.vector_load %arg8[%get3A_687] {strides = array<i32>} : memref<13312xi32, #tpu.memory_space<vmem>>, vector<16xi32>,
        %shift_right_arithmetic3A_689 = arith.constant 6 : i32
        %shift_right_arithmetic3A_690 = vector.broadcast %shift_right_arithmetic3A_689 : i32 to vector<16xi32>
        %shift_right_arithmetic3A_691 = arith.shrsi %get3A_688, %shift_right_arithmetic3A_690 : vector<16xi32>
        %swap3A_692 = arith.constant 0 : i32
        %swap3A_693 = arith.index_cast %swap3A_692 : i32 to index
        %swap3A_694 = arith.constant 128 : index
        %swap3A_695 = tpu.vector_load %arg9[%swap3A_693, %swap3A_694] {strides = array<i32>} : memref<1x416xi32, #tpu.memory_space<vmem>>, vector<16xi32>,
        tpu.vector_store %arg9[%swap3A_693, %swap3A_694], %shift_right_arithmetic3A_691 {strides = array<i32>} : memref<1x416xi32, #tpu.memory_space<vmem>>, vector<16xi32>,
        %and3A_696 = arith.constant 63 : i32
        %and3A_697 = vector.broadcast %and3A_696 : i32 to vector<16xi32>
        %and3A_698 = arith.andi %get3A_688, %and3A_697 : vector<16xi32>
        %swap3A_699 = arith.constant 0 : i32
        %swap3A_700 = arith.index_cast %swap3A_699 : i32 to index
        %swap3A_701 = arith.constant 128 : index
        %swap3A_702 = tpu.vector_load %arg11[%swap3A_700, %swap3A_701] {strides = array<i32>} : memref<1x416xi32, #tpu.memory_space<vmem>>, vector<16xi32>,
        tpu.vector_store %arg11[%swap3A_700, %swap3A_701], %and3A_698 {strides = array<i32>} : memref<1x416xi32, #tpu.memory_space<vmem>>, vector<16xi32>,
        %mul3A_703 = arith.constant 416 : i32
        %mul3A_704 = arith.muli %add3A_522, %mul3A_703 : i32
        %add3A_705 = arith.constant 144 : i32
        %add3A_706 = arith.addi %mul3A_704, %add3A_705 : i32
        %get3A_707 = arith.index_cast %add3A_706 : i32 to index
        %get3A_708 = tpu.vector_load %arg8[%get3A_707] {strides = array<i32>} : memref<13312xi32, #tpu.memory_space<vmem>>, vector<16xi32>,
        %shift_right_arithmetic3A_709 = arith.constant 6 : i32
        %shift_right_arithmetic3A_710 = vector.broadcast %shift_right_arithmetic3A_709 : i32 to vector<16xi32>
        %shift_right_arithmetic3A_711 = arith.shrsi %get3A_708, %shift_right_arithmetic3A_710 : vector<16xi32>
        %swap3A_712 = arith.constant 0 : i32
        %swap3A_713 = arith.index_cast %swap3A_712 : i32 to index
        %swap3A_714 = arith.constant 144 : index
        %swap3A_715 = tpu.vector_load %arg9[%swap3A_713, %swap3A_714] {strides = array<i32>} : memref<1x416xi32, #tpu.memory_space<vmem>>, vector<16xi32>,
        tpu.vector_store %arg9[%swap3A_713, %swap3A_714], %shift_right_arithmetic3A_711 {strides = array<i32>} : memref<1x416xi32, #tpu.memory_space<vmem>>, vector<16xi32>,
        %and3A_716 = arith.constant 63 : i32
        %and3A_717 = vector.broadcast %and3A_716 : i32 to vector<16xi32>
        %and3A_718 = arith.andi %get3A_708, %and3A_717 : vector<16xi32>
        %swap3A_719 = arith.constant 0 : i32
        %swap3A_720 = arith.index_cast %swap3A_719 : i32 to index
        %swap3A_721 = arith.constant 144 : index
        %swap3A_722 = tpu.vector_load %arg11[%swap3A_720, %swap3A_721] {strides = array<i32>} : memref<1x416xi32, #tpu.memory_space<vmem>>, vector<16xi32>,
        tpu.vector_store %arg11[%swap3A_720, %swap3A_721], %and3A_718 {strides = array<i32>} : memref<1x416xi32, #tpu.memory_space<vmem>>, vector<16xi32>,
        %mul3A_723 = arith.constant 416 : i32
        %mul3A_724 = arith.muli %add3A_522, %mul3A_723 : i32
        %add3A_725 = arith.constant 160 : i32
        %add3A_726 = arith.addi %mul3A_724, %add3A_725 : i32
        %get3A_727 = arith.index_cast %add3A_726 : i32 to index
        %get3A_728 = tpu.vector_load %arg8[%get3A_727] {strides = array<i32>} : memref<13312xi32, #tpu.memory_space<vmem>>, vector<16xi32>,
        %shift_right_arithmetic3A_729 = arith.constant 6 : i32
        %shift_right_arithmetic3A_730 = vector.broadcast %shift_right_arithmetic3A_729 : i32 to vector<16xi32>
        %shift_right_arithmetic3A_731 = arith.shrsi %get3A_728, %shift_right_arithmetic3A_730 : vector<16xi32>
        %swap3A_732 = arith.constant 0 : i32
        %swap3A_733 = arith.index_cast %swap3A_732 : i32 to index
        %swap3A_734 = arith.constant 160 : index
        %swap3A_735 = tpu.vector_load %arg9[%swap3A_733, %swap3A_734] {strides = array<i32>} : memref<1x416xi32, #tpu.memory_space<vmem>>, vector<16xi32>,
        tpu.vector_store %arg9[%swap3A_733, %swap3A_734], %shift_right_arithmetic3A_731 {strides = array<i32>} : memref<1x416xi32, #tpu.memory_space<vmem>>, vector<16xi32>,
        %and3A_736 = arith.constant 63 : i32
        %and3A_737 = vector.broadcast %and3A_736 : i32 to vector<16xi32>
        %and3A_738 = arith.andi %get3A_728, %and3A_737 : vector<16xi32>
        %swap3A_739 = arith.constant 0 : i32
        %swap3A_740 = arith.index_cast %swap3A_739 : i32 to index
        %swap3A_741 = arith.constant 160 : index
        %swap3A_742 = tpu.vector_load %arg11[%swap3A_740, %swap3A_741] {strides = array<i32>} : memref<1x416xi32, #tpu.memory_space<vmem>>, vector<16xi32>,
        tpu.vector_store %arg11[%swap3A_740, %swap3A_741], %and3A_738 {strides = array<i32>} : memref<1x416xi32, #tpu.memory_space<vmem>>, vector<16xi32>,
        %mul3A_743 = arith.constant 416 : i32
        %mul3A_744 = arith.muli %add3A_522, %mul3A_743 : i32
        %add3A_745 = arith.constant 176 : i32
        %add3A_746 = arith.addi %mul3A_744, %add3A_745 : i32
        %get3A_747 = arith.index_cast %add3A_746 : i32 to index
        %get3A_748 = tpu.vector_load %arg8[%get3A_747] {strides = array<i32>} : memref<13312xi32, #tpu.memory_space<vmem>>, vector<16xi32>,
        %shift_right_arithmetic3A_749 = arith.constant 6 : i32
        %shift_right_arithmetic3A_750 = vector.broadcast %shift_right_arithmetic3A_749 : i32 to vector<16xi32>
        %shift_right_arithmetic3A_751 = arith.shrsi %get3A_748, %shift_right_arithmetic3A_750 : vector<16xi32>
        %swap3A_752 = arith.constant 0 : i32
        %swap3A_753 = arith.index_cast %swap3A_752 : i32 to index
        %swap3A_754 = arith.constant 176 : index
        %swap3A_755 = tpu.vector_load %arg9[%swap3A_753, %swap3A_754] {strides = array<i32>} : memref<1x416xi32, #tpu.memory_space<vmem>>, vector<16xi32>,
        tpu.vector_store %arg9[%swap3A_753, %swap3A_754], %shift_right_arithmetic3A_751 {strides = array<i32>} : memref<1x416xi32, #tpu.memory_space<vmem>>, vector<16xi32>,
        %and3A_756 = arith.constant 63 : i32
        %and3A_757 = vector.broadcast %and3A_756 : i32 to vector<16xi32>
        %and3A_758 = arith.andi %get3A_748, %and3A_757 : vector<16xi32>
        %swap3A_759 = arith.constant 0 : i32
        %swap3A_760 = arith.index_cast %swap3A_759 : i32 to index
        %swap3A_761 = arith.constant 176 : index
        %swap3A_762 = tpu.vector_load %arg11[%swap3A_760, %swap3A_761] {strides = array<i32>} : memref<1x416xi32, #tpu.memory_space<vmem>>, vector<16xi32>,
        tpu.vector_store %arg11[%swap3A_760, %swap3A_761], %and3A_758 {strides = array<i32>} : memref<1x416xi32, #tpu.memory_space<vmem>>, vector<16xi32>,
        %mul3A_763 = arith.constant 416 : i32
        %mul3A_764 = arith.muli %add3A_522, %mul3A_763 : i32
        %add3A_765 = arith.constant 192 : i32
        %add3A_766 = arith.addi %mul3A_764, %add3A_765 : i32
        %get3A_767 = arith.index_cast %add3A_766 : i32 to index
        %get3A_768 = tpu.vector_load %arg8[%get3A_767] {strides = array<i32>} : memref<13312xi32, #tpu.memory_space<vmem>>, vector<16xi32>,
        %shift_right_arithmetic3A_769 = arith.constant 6 : i32
        %shift_right_arithmetic3A_770 = vector.broadcast %shift_right_arithmetic3A_769 : i32 to vector<16xi32>
        %shift_right_arithmetic3A_771 = arith.shrsi %get3A_768, %shift_right_arithmetic3A_770 : vector<16xi32>
        %swap3A_772 = arith.constant 0 : i32
        %swap3A_773 = arith.index_cast %swap3A_772 : i32 to index
        %swap3A_774 = arith.constant 192 : index
        %swap3A_775 = tpu.vector_load %arg9[%swap3A_773, %swap3A_774] {strides = array<i32>} : memref<1x416xi32, #tpu.memory_space<vmem>>, vector<16xi32>,
        tpu.vector_store %arg9[%swap3A_773, %swap3A_774], %shift_right_arithmetic3A_771 {strides = array<i32>} : memref<1x416xi32, #tpu.memory_space<vmem>>, vector<16xi32>,
        %and3A_776 = arith.constant 63 : i32
        %and3A_777 = vector.broadcast %and3A_776 : i32 to vector<16xi32>
        %and3A_778 = arith.andi %get3A_768, %and3A_777 : vector<16xi32>
        %swap3A_779 = arith.constant 0 : i32
        %swap3A_780 = arith.index_cast %swap3A_779 : i32 to index
        %swap3A_781 = arith.constant 192 : index
        %swap3A_782 = tpu.vector_load %arg11[%swap3A_780, %swap3A_781] {strides = array<i32>} : memref<1x416xi32, #tpu.memory_space<vmem>>, vector<16xi32>,
        tpu.vector_store %arg11[%swap3A_780, %swap3A_781], %and3A_778 {strides = array<i32>} : memref<1x416xi32, #tpu.memory_space<vmem>>, vector<16xi32>,
        %mul3A_783 = arith.constant 416 : i32
        %mul3A_784 = arith.muli %add3A_522, %mul3A_783 : i32
        %add3A_785 = arith.constant 208 : i32
        %add3A_786 = arith.addi %mul3A_784, %add3A_785 : i32
        %get3A_787 = arith.index_cast %add3A_786 : i32 to index
        %get3A_788 = tpu.vector_load %arg8[%get3A_787] {strides = array<i32>} : memref<13312xi32, #tpu.memory_space<vmem>>, vector<16xi32>,
        %shift_right_arithmetic3A_789 = arith.constant 6 : i32
        %shift_right_arithmetic3A_790 = vector.broadcast %shift_right_arithmetic3A_789 : i32 to vector<16xi32>
        %shift_right_arithmetic3A_791 = arith.shrsi %get3A_788, %shift_right_arithmetic3A_790 : vector<16xi32>
        %swap3A_792 = arith.constant 0 : i32
        %swap3A_793 = arith.index_cast %swap3A_792 : i32 to index
        %swap3A_794 = arith.constant 208 : index
        %swap3A_795 = tpu.vector_load %arg9[%swap3A_793, %swap3A_794] {strides = array<i32>} : memref<1x416xi32, #tpu.memory_space<vmem>>, vector<16xi32>,
        tpu.vector_store %arg9[%swap3A_793, %swap3A_794], %shift_right_arithmetic3A_791 {strides = array<i32>} : memref<1x416xi32, #tpu.memory_space<vmem>>, vector<16xi32>,
        %and3A_796 = arith.constant 63 : i32
        %and3A_797 = vector.broadcast %and3A_796 : i32 to vector<16xi32>
        %and3A_798 = arith.andi %get3A_788, %and3A_797 : vector<16xi32>
        %swap3A_799 = arith.constant 0 : i32
        %swap3A_800 = arith.index_cast %swap3A_799 : i32 to index
        %swap3A_801 = arith.constant 208 : index
        %swap3A_802 = tpu.vector_load %arg11[%swap3A_800, %swap3A_801] {strides = array<i32>} : memref<1x416xi32, #tpu.memory_space<vmem>>, vector<16xi32>,
        tpu.vector_store %arg11[%swap3A_800, %swap3A_801], %and3A_798 {strides = array<i32>} : memref<1x416xi32, #tpu.memory_space<vmem>>, vector<16xi32>,
        %mul3A_803 = arith.constant 416 : i32
        %mul3A_804 = arith.muli %add3A_522, %mul3A_803 : i32
        %add3A_805 = arith.constant 224 : i32
        %add3A_806 = arith.addi %mul3A_804, %add3A_805 : i32
        %get3A_807 = arith.index_cast %add3A_806 : i32 to index
        %get3A_808 = tpu.vector_load %arg8[%get3A_807] {strides = array<i32>} : memref<13312xi32, #tpu.memory_space<vmem>>, vector<16xi32>,
        %shift_right_arithmetic3A_809 = arith.constant 6 : i32
        %shift_right_arithmetic3A_810 = vector.broadcast %shift_right_arithmetic3A_809 : i32 to vector<16xi32>
        %shift_right_arithmetic3A_811 = arith.shrsi %get3A_808, %shift_right_arithmetic3A_810 : vector<16xi32>
        %swap3A_812 = arith.constant 0 : i32
        %swap3A_813 = arith.index_cast %swap3A_812 : i32 to index
        %swap3A_814 = arith.constant 224 : index
        %swap3A_815 = tpu.vector_load %arg9[%swap3A_813, %swap3A_814] {strides = array<i32>} : memref<1x416xi32, #tpu.memory_space<vmem>>, vector<16xi32>,
        tpu.vector_store %arg9[%swap3A_813, %swap3A_814], %shift_right_arithmetic3A_811 {strides = array<i32>} : memref<1x416xi32, #tpu.memory_space<vmem>>, vector<16xi32>,
        %and3A_816 = arith.constant 63 : i32
        %and3A_817 = vector.broadcast %and3A_816 : i32 to vector<16xi32>
        %and3A_818 = arith.andi %get3A_808, %and3A_817 : vector<16xi32>
        %swap3A_819 = arith.constant 0 : i32
        %swap3A_820 = arith.index_cast %swap3A_819 : i32 to index
        %swap3A_821 = arith.constant 224 : index
        %swap3A_822 = tpu.vector_load %arg11[%swap3A_820, %swap3A_821] {strides = array<i32>} : memref<1x416xi32, #tpu.memory_space<vmem>>, vector<16xi32>,
        tpu.vector_store %arg11[%swap3A_820, %swap3A_821], %and3A_818 {strides = array<i32>} : memref<1x416xi32, #tpu.memory_space<vmem>>, vector<16xi32>,
        %mul3A_823 = arith.constant 416 : i32
        %mul3A_824 = arith.muli %add3A_522, %mul3A_823 : i32
        %add3A_825 = arith.constant 240 : i32
        %add3A_826 = arith.addi %mul3A_824, %add3A_825 : i32
        %get3A_827 = arith.index_cast %add3A_826 : i32 to index
        %get3A_828 = tpu.vector_load %arg8[%get3A_827] {strides = array<i32>} : memref<13312xi32, #tpu.memory_space<vmem>>, vector<16xi32>,
        %shift_right_arithmetic3A_829 = arith.constant 6 : i32
        %shift_right_arithmetic3A_830 = vector.broadcast %shift_right_arithmetic3A_829 : i32 to vector<16xi32>
        %shift_right_arithmetic3A_831 = arith.shrsi %get3A_828, %shift_right_arithmetic3A_830 : vector<16xi32>
        %swap3A_832 = arith.constant 0 : i32
        %swap3A_833 = arith.index_cast %swap3A_832 : i32 to index
        %swap3A_834 = arith.constant 240 : index
        %swap3A_835 = tpu.vector_load %arg9[%swap3A_833, %swap3A_834] {strides = array<i32>} : memref<1x416xi32, #tpu.memory_space<vmem>>, vector<16xi32>,
        tpu.vector_store %arg9[%swap3A_833, %swap3A_834], %shift_right_arithmetic3A_831 {strides = array<i32>} : memref<1x416xi32, #tpu.memory_space<vmem>>, vector<16xi32>,
        %and3A_836 = arith.constant 63 : i32
        %and3A_837 = vector.broadcast %and3A_836 : i32 to vector<16xi32>
        %and3A_838 = arith.andi %get3A_828, %and3A_837 : vector<16xi32>
        %swap3A_839 = arith.constant 0 : i32
        %swap3A_840 = arith.index_cast %swap3A_839 : i32 to index
        %swap3A_841 = arith.constant 240 : index
        %swap3A_842 = tpu.vector_load %arg11[%swap3A_840, %swap3A_841] {strides = array<i32>} : memref<1x416xi32, #tpu.memory_space<vmem>>, vector<16xi32>,
        tpu.vector_store %arg11[%swap3A_840, %swap3A_841], %and3A_838 {strides = array<i32>} : memref<1x416xi32, #tpu.memory_space<vmem>>, vector<16xi32>,
        %mul3A_843 = arith.constant 416 : i32
        %mul3A_844 = arith.muli %add3A_522, %mul3A_843 : i32
        %add3A_845 = arith.constant 256 : i32
        %add3A_846 = arith.addi %mul3A_844, %add3A_845 : i32
        %get3A_847 = arith.index_cast %add3A_846 : i32 to index
        %get3A_848 = tpu.vector_load %arg8[%get3A_847] {strides = array<i32>} : memref<13312xi32, #tpu.memory_space<vmem>>, vector<16xi32>,
        %shift_right_arithmetic3A_849 = arith.constant 6 : i32
        %shift_right_arithmetic3A_850 = vector.broadcast %shift_right_arithmetic3A_849 : i32 to vector<16xi32>
        %shift_right_arithmetic3A_851 = arith.shrsi %get3A_848, %shift_right_arithmetic3A_850 : vector<16xi32>
        %swap3A_852 = arith.constant 0 : i32
        %swap3A_853 = arith.index_cast %swap3A_852 : i32 to index
        %swap3A_854 = arith.constant 256 : index
        %swap3A_855 = tpu.vector_load %arg9[%swap3A_853, %swap3A_854] {strides = array<i32>} : memref<1x416xi32, #tpu.memory_space<vmem>>, vector<16xi32>,
        tpu.vector_store %arg9[%swap3A_853, %swap3A_854], %shift_right_arithmetic3A_851 {strides = array<i32>} : memref<1x416xi32, #tpu.memory_space<vmem>>, vector<16xi32>,
        %and3A_856 = arith.constant 63 : i32
        %and3A_857 = vector.broadcast %and3A_856 : i32 to vector<16xi32>
        %and3A_858 = arith.andi %get3A_848, %and3A_857 : vector<16xi32>
        %swap3A_859 = arith.constant 0 : i32
        %swap3A_860 = arith.index_cast %swap3A_859 : i32 to index
        %swap3A_861 = arith.constant 256 : index
        %swap3A_862 = tpu.vector_load %arg11[%swap3A_860, %swap3A_861] {strides = array<i32>} : memref<1x416xi32, #tpu.memory_space<vmem>>, vector<16xi32>,
        tpu.vector_store %arg11[%swap3A_860, %swap3A_861], %and3A_858 {strides = array<i32>} : memref<1x416xi32, #tpu.memory_space<vmem>>, vector<16xi32>,
        %mul3A_863 = arith.constant 416 : i32
        %mul3A_864 = arith.muli %add3A_522, %mul3A_863 : i32
        %add3A_865 = arith.constant 272 : i32
        %add3A_866 = arith.addi %mul3A_864, %add3A_865 : i32
        %get3A_867 = arith.index_cast %add3A_866 : i32 to index
        %get3A_868 = tpu.vector_load %arg8[%get3A_867] {strides = array<i32>} : memref<13312xi32, #tpu.memory_space<vmem>>, vector<16xi32>,
        %shift_right_arithmetic3A_869 = arith.constant 6 : i32
        %shift_right_arithmetic3A_870 = vector.broadcast %shift_right_arithmetic3A_869 : i32 to vector<16xi32>
        %shift_right_arithmetic3A_871 = arith.shrsi %get3A_868, %shift_right_arithmetic3A_870 : vector<16xi32>
        %swap3A_872 = arith.constant 0 : i32
        %swap3A_873 = arith.index_cast %swap3A_872 : i32 to index
        %swap3A_874 = arith.constant 272 : index
        %swap3A_875 = tpu.vector_load %arg9[%swap3A_873, %swap3A_874] {strides = array<i32>} : memref<1x416xi32, #tpu.memory_space<vmem>>, vector<16xi32>,
        tpu.vector_store %arg9[%swap3A_873, %swap3A_874], %shift_right_arithmetic3A_871 {strides = array<i32>} : memref<1x416xi32, #tpu.memory_space<vmem>>, vector<16xi32>,
        %and3A_876 = arith.constant 63 : i32
        %and3A_877 = vector.broadcast %and3A_876 : i32 to vector<16xi32>
        %and3A_878 = arith.andi %get3A_868, %and3A_877 : vector<16xi32>
        %swap3A_879 = arith.constant 0 : i32
        %swap3A_880 = arith.index_cast %swap3A_879 : i32 to index
        %swap3A_881 = arith.constant 272 : index
        %swap3A_882 = tpu.vector_load %arg11[%swap3A_880, %swap3A_881] {strides = array<i32>} : memref<1x416xi32, #tpu.memory_space<vmem>>, vector<16xi32>,
        tpu.vector_store %arg11[%swap3A_880, %swap3A_881], %and3A_878 {strides = array<i32>} : memref<1x416xi32, #tpu.memory_space<vmem>>, vector<16xi32>,
        %mul3A_883 = arith.constant 416 : i32
        %mul3A_884 = arith.muli %add3A_522, %mul3A_883 : i32
        %add3A_885 = arith.constant 288 : i32
        %add3A_886 = arith.addi %mul3A_884, %add3A_885 : i32
        %get3A_887 = arith.index_cast %add3A_886 : i32 to index
        %get3A_888 = tpu.vector_load %arg8[%get3A_887] {strides = array<i32>} : memref<13312xi32, #tpu.memory_space<vmem>>, vector<16xi32>,
        %shift_right_arithmetic3A_889 = arith.constant 6 : i32
        %shift_right_arithmetic3A_890 = vector.broadcast %shift_right_arithmetic3A_889 : i32 to vector<16xi32>
        %shift_right_arithmetic3A_891 = arith.shrsi %get3A_888, %shift_right_arithmetic3A_890 : vector<16xi32>
        %swap3A_892 = arith.constant 0 : i32
        %swap3A_893 = arith.index_cast %swap3A_892 : i32 to index
        %swap3A_894 = arith.constant 288 : index
        %swap3A_895 = tpu.vector_load %arg9[%swap3A_893, %swap3A_894] {strides = array<i32>} : memref<1x416xi32, #tpu.memory_space<vmem>>, vector<16xi32>,
        tpu.vector_store %arg9[%swap3A_893, %swap3A_894], %shift_right_arithmetic3A_891 {strides = array<i32>} : memref<1x416xi32, #tpu.memory_space<vmem>>, vector<16xi32>,
        %and3A_896 = arith.constant 63 : i32
        %and3A_897 = vector.broadcast %and3A_896 : i32 to vector<16xi32>
        %and3A_898 = arith.andi %get3A_888, %and3A_897 : vector<16xi32>
        %swap3A_899 = arith.constant 0 : i32
        %swap3A_900 = arith.index_cast %swap3A_899 : i32 to index
        %swap3A_901 = arith.constant 288 : index
        %swap3A_902 = tpu.vector_load %arg11[%swap3A_900, %swap3A_901] {strides = array<i32>} : memref<1x416xi32, #tpu.memory_space<vmem>>, vector<16xi32>,
        tpu.vector_store %arg11[%swap3A_900, %swap3A_901], %and3A_898 {strides = array<i32>} : memref<1x416xi32, #tpu.memory_space<vmem>>, vector<16xi32>,
        %mul3A_903 = arith.constant 416 : i32
        %mul3A_904 = arith.muli %add3A_522, %mul3A_903 : i32
        %add3A_905 = arith.constant 304 : i32
        %add3A_906 = arith.addi %mul3A_904, %add3A_905 : i32
        %get3A_907 = arith.index_cast %add3A_906 : i32 to index
        %get3A_908 = tpu.vector_load %arg8[%get3A_907] {strides = array<i32>} : memref<13312xi32, #tpu.memory_space<vmem>>, vector<16xi32>,
        %shift_right_arithmetic3A_909 = arith.constant 6 : i32
        %shift_right_arithmetic3A_910 = vector.broadcast %shift_right_arithmetic3A_909 : i32 to vector<16xi32>
        %shift_right_arithmetic3A_911 = arith.shrsi %get3A_908, %shift_right_arithmetic3A_910 : vector<16xi32>
        %swap3A_912 = arith.constant 0 : i32
        %swap3A_913 = arith.index_cast %swap3A_912 : i32 to index
        %swap3A_914 = arith.constant 304 : index
        %swap3A_915 = tpu.vector_load %arg9[%swap3A_913, %swap3A_914] {strides = array<i32>} : memref<1x416xi32, #tpu.memory_space<vmem>>, vector<16xi32>,
        tpu.vector_store %arg9[%swap3A_913, %swap3A_914], %shift_right_arithmetic3A_911 {strides = array<i32>} : memref<1x416xi32, #tpu.memory_space<vmem>>, vector<16xi32>,
        %and3A_916 = arith.constant 63 : i32
        %and3A_917 = vector.broadcast %and3A_916 : i32 to vector<16xi32>
        %and3A_918 = arith.andi %get3A_908, %and3A_917 : vector<16xi32>
        %swap3A_919 = arith.constant 0 : i32
        %swap3A_920 = arith.index_cast %swap3A_919 : i32 to index
        %swap3A_921 = arith.constant 304 : index
        %swap3A_922 = tpu.vector_load %arg11[%swap3A_920, %swap3A_921] {strides = array<i32>} : memref<1x416xi32, #tpu.memory_space<vmem>>, vector<16xi32>,
        tpu.vector_store %arg11[%swap3A_920, %swap3A_921], %and3A_918 {strides = array<i32>} : memref<1x416xi32, #tpu.memory_space<vmem>>, vector<16xi32>,
        %mul3A_923 = arith.constant 416 : i32
        %mul3A_924 = arith.muli %add3A_522, %mul3A_923 : i32
        %add3A_925 = arith.constant 320 : i32
        %add3A_926 = arith.addi %mul3A_924, %add3A_925 : i32
        %get3A_927 = arith.index_cast %add3A_926 : i32 to index
        %get3A_928 = tpu.vector_load %arg8[%get3A_927] {strides = array<i32>} : memref<13312xi32, #tpu.memory_space<vmem>>, vector<16xi32>,
        %shift_right_arithmetic3A_929 = arith.constant 6 : i32
        %shift_right_arithmetic3A_930 = vector.broadcast %shift_right_arithmetic3A_929 : i32 to vector<16xi32>
        %shift_right_arithmetic3A_931 = arith.shrsi %get3A_928, %shift_right_arithmetic3A_930 : vector<16xi32>
        %swap3A_932 = arith.constant 0 : i32
        %swap3A_933 = arith.index_cast %swap3A_932 : i32 to index
        %swap3A_934 = arith.constant 320 : index
        %swap3A_935 = tpu.vector_load %arg9[%swap3A_933, %swap3A_934] {strides = array<i32>} : memref<1x416xi32, #tpu.memory_space<vmem>>, vector<16xi32>,
        tpu.vector_store %arg9[%swap3A_933, %swap3A_934], %shift_right_arithmetic3A_931 {strides = array<i32>} : memref<1x416xi32, #tpu.memory_space<vmem>>, vector<16xi32>,
        %and3A_936 = arith.constant 63 : i32
        %and3A_937 = vector.broadcast %and3A_936 : i32 to vector<16xi32>
        %and3A_938 = arith.andi %get3A_928, %and3A_937 : vector<16xi32>
        %swap3A_939 = arith.constant 0 : i32
        %swap3A_940 = arith.index_cast %swap3A_939 : i32 to index
        %swap3A_941 = arith.constant 320 : index
        %swap3A_942 = tpu.vector_load %arg11[%swap3A_940, %swap3A_941] {strides = array<i32>} : memref<1x416xi32, #tpu.memory_space<vmem>>, vector<16xi32>,
        tpu.vector_store %arg11[%swap3A_940, %swap3A_941], %and3A_938 {strides = array<i32>} : memref<1x416xi32, #tpu.memory_space<vmem>>, vector<16xi32>,
        %mul3A_943 = arith.constant 416 : i32
        %mul3A_944 = arith.muli %add3A_522, %mul3A_943 : i32
        %add3A_945 = arith.constant 336 : i32
        %add3A_946 = arith.addi %mul3A_944, %add3A_945 : i32
        %get3A_947 = arith.index_cast %add3A_946 : i32 to index
        %get3A_948 = tpu.vector_load %arg8[%get3A_947] {strides = array<i32>} : memref<13312xi32, #tpu.memory_space<vmem>>, vector<16xi32>,
        %shift_right_arithmetic3A_949 = arith.constant 6 : i32
        %shift_right_arithmetic3A_950 = vector.broadcast %shift_right_arithmetic3A_949 : i32 to vector<16xi32>
        %shift_right_arithmetic3A_951 = arith.shrsi %get3A_948, %shift_right_arithmetic3A_950 : vector<16xi32>
        %swap3A_952 = arith.constant 0 : i32
        %swap3A_953 = arith.index_cast %swap3A_952 : i32 to index
        %swap3A_954 = arith.constant 336 : index
        %swap3A_955 = tpu.vector_load %arg9[%swap3A_953, %swap3A_954] {strides = array<i32>} : memref<1x416xi32, #tpu.memory_space<vmem>>, vector<16xi32>,
        tpu.vector_store %arg9[%swap3A_953, %swap3A_954], %shift_right_arithmetic3A_951 {strides = array<i32>} : memref<1x416xi32, #tpu.memory_space<vmem>>, vector<16xi32>,
        %and3A_956 = arith.constant 63 : i32
        %and3A_957 = vector.broadcast %and3A_956 : i32 to vector<16xi32>
        %and3A_958 = arith.andi %get3A_948, %and3A_957 : vector<16xi32>
        %swap3A_959 = arith.constant 0 : i32
        %swap3A_960 = arith.index_cast %swap3A_959 : i32 to index
        %swap3A_961 = arith.constant 336 : index
        %swap3A_962 = tpu.vector_load %arg11[%swap3A_960, %swap3A_961] {strides = array<i32>} : memref<1x416xi32, #tpu.memory_space<vmem>>, vector<16xi32>,
        tpu.vector_store %arg11[%swap3A_960, %swap3A_961], %and3A_958 {strides = array<i32>} : memref<1x416xi32, #tpu.memory_space<vmem>>, vector<16xi32>,
        %mul3A_963 = arith.constant 416 : i32
        %mul3A_964 = arith.muli %add3A_522, %mul3A_963 : i32
        %add3A_965 = arith.constant 352 : i32
        %add3A_966 = arith.addi %mul3A_964, %add3A_965 : i32
        %get3A_967 = arith.index_cast %add3A_966 : i32 to index
        %get3A_968 = tpu.vector_load %arg8[%get3A_967] {strides = array<i32>} : memref<13312xi32, #tpu.memory_space<vmem>>, vector<16xi32>,
        %shift_right_arithmetic3A_969 = arith.constant 6 : i32
        %shift_right_arithmetic3A_970 = vector.broadcast %shift_right_arithmetic3A_969 : i32 to vector<16xi32>
        %shift_right_arithmetic3A_971 = arith.shrsi %get3A_968, %shift_right_arithmetic3A_970 : vector<16xi32>
        %swap3A_972 = arith.constant 0 : i32
        %swap3A_973 = arith.index_cast %swap3A_972 : i32 to index
        %swap3A_974 = arith.constant 352 : index
        %swap3A_975 = tpu.vector_load %arg9[%swap3A_973, %swap3A_974] {strides = array<i32>} : memref<1x416xi32, #tpu.memory_space<vmem>>, vector<16xi32>,
        tpu.vector_store %arg9[%swap3A_973, %swap3A_974], %shift_right_arithmetic3A_971 {strides = array<i32>} : memref<1x416xi32, #tpu.memory_space<vmem>>, vector<16xi32>,
        %and3A_976 = arith.constant 63 : i32
        %and3A_977 = vector.broadcast %and3A_976 : i32 to vector<16xi32>
        %and3A_978 = arith.andi %get3A_968, %and3A_977 : vector<16xi32>
        %swap3A_979 = arith.constant 0 : i32
        %swap3A_980 = arith.index_cast %swap3A_979 : i32 to index
        %swap3A_981 = arith.constant 352 : index
        %swap3A_982 = tpu.vector_load %arg11[%swap3A_980, %swap3A_981] {strides = array<i32>} : memref<1x416xi32, #tpu.memory_space<vmem>>, vector<16xi32>,
        tpu.vector_store %arg11[%swap3A_980, %swap3A_981], %and3A_978 {strides = array<i32>} : memref<1x416xi32, #tpu.memory_space<vmem>>, vector<16xi32>,
        %mul3A_983 = arith.constant 416 : i32
        %mul3A_984 = arith.muli %add3A_522, %mul3A_983 : i32
        %add3A_985 = arith.constant 368 : i32
        %add3A_986 = arith.addi %mul3A_984, %add3A_985 : i32
        %get3A_987 = arith.index_cast %add3A_986 : i32 to index
        %get3A_988 = tpu.vector_load %arg8[%get3A_987] {strides = array<i32>} : memref<13312xi32, #tpu.memory_space<vmem>>, vector<16xi32>,
        %shift_right_arithmetic3A_989 = arith.constant 6 : i32
        %shift_right_arithmetic3A_990 = vector.broadcast %shift_right_arithmetic3A_989 : i32 to vector<16xi32>
        %shift_right_arithmetic3A_991 = arith.shrsi %get3A_988, %shift_right_arithmetic3A_990 : vector<16xi32>
        %swap3A_992 = arith.constant 0 : i32
        %swap3A_993 = arith.index_cast %swap3A_992 : i32 to index
        %swap3A_994 = arith.constant 368 : index
        %swap3A_995 = tpu.vector_load %arg9[%swap3A_993, %swap3A_994] {strides = array<i32>} : memref<1x416xi32, #tpu.memory_space<vmem>>, vector<16xi32>,
        tpu.vector_store %arg9[%swap3A_993, %swap3A_994], %shift_right_arithmetic3A_991 {strides = array<i32>} : memref<1x416xi32, #tpu.memory_space<vmem>>, vector<16xi32>,
        %and3A_996 = arith.constant 63 : i32
        %and3A_997 = vector.broadcast %and3A_996 : i32 to vector<16xi32>
        %and3A_998 = arith.andi %get3A_988, %and3A_997 : vector<16xi32>
        %swap3A_999 = arith.constant 0 : i32
        %swap3A_1000 = arith.index_cast %swap3A_999 : i32 to index
        %swap3A_1001 = arith.constant 368 : index
        %swap3A_1002 = tpu.vector_load %arg11[%swap3A_1000, %swap3A_1001] {strides = array<i32>} : memref<1x416xi32, #tpu.memory_space<vmem>>, vector<16xi32>,
        tpu.vector_store %arg11[%swap3A_1000, %swap3A_1001], %and3A_998 {strides = array<i32>} : memref<1x416xi32, #tpu.memory_space<vmem>>, vector<16xi32>,
        %mul3A_1003 = arith.constant 416 : i32
        %mul3A_1004 = arith.muli %add3A_522, %mul3A_1003 : i32
        %add3A_1005 = arith.constant 384 : i32
        %add3A_1006 = arith.addi %mul3A_1004, %add3A_1005 : i32
        %get3A_1007 = arith.index_cast %add3A_1006 : i32 to index
        %get3A_1008 = tpu.vector_load %arg8[%get3A_1007] {strides = array<i32>} : memref<13312xi32, #tpu.memory_space<vmem>>, vector<16xi32>,
        %shift_right_arithmetic3A_1009 = arith.constant 6 : i32
        %shift_right_arithmetic3A_1010 = vector.broadcast %shift_right_arithmetic3A_1009 : i32 to vector<16xi32>
        %shift_right_arithmetic3A_1011 = arith.shrsi %get3A_1008, %shift_right_arithmetic3A_1010 : vector<16xi32>
        %swap3A_1012 = arith.constant 0 : i32
        %swap3A_1013 = arith.index_cast %swap3A_1012 : i32 to index
        %swap3A_1014 = arith.constant 384 : index
        %swap3A_1015 = tpu.vector_load %arg9[%swap3A_1013, %swap3A_1014] {strides = array<i32>} : memref<1x416xi32, #tpu.memory_space<vmem>>, vector<16xi32>,
        tpu.vector_store %arg9[%swap3A_1013, %swap3A_1014], %shift_right_arithmetic3A_1011 {strides = array<i32>} : memref<1x416xi32, #tpu.memory_space<vmem>>, vector<16xi32>,
        %and3A_1016 = arith.constant 63 : i32
        %and3A_1017 = vector.broadcast %and3A_1016 : i32 to vector<16xi32>
        %and3A_1018 = arith.andi %get3A_1008, %and3A_1017 : vector<16xi32>
        %swap3A_1019 = arith.constant 0 : i32
        %swap3A_1020 = arith.index_cast %swap3A_1019 : i32 to index
        %swap3A_1021 = arith.constant 384 : index
        %swap3A_1022 = tpu.vector_load %arg11[%swap3A_1020, %swap3A_1021] {strides = array<i32>} : memref<1x416xi32, #tpu.memory_space<vmem>>, vector<16xi32>,
        tpu.vector_store %arg11[%swap3A_1020, %swap3A_1021], %and3A_1018 {strides = array<i32>} : memref<1x416xi32, #tpu.memory_space<vmem>>, vector<16xi32>,
        %mul3A_1023 = arith.constant 416 : i32
        %mul3A_1024 = arith.muli %add3A_522, %mul3A_1023 : i32
        %add3A_1025 = arith.constant 400 : i32
        %add3A_1026 = arith.addi %mul3A_1024, %add3A_1025 : i32
        %get3A_1027 = arith.index_cast %add3A_1026 : i32 to index
        %get3A_1028 = tpu.vector_load %arg8[%get3A_1027] {strides = array<i32>} : memref<13312xi32, #tpu.memory_space<vmem>>, vector<16xi32>,
        %shift_right_arithmetic3A_1029 = arith.constant 6 : i32
        %shift_right_arithmetic3A_1030 = vector.broadcast %shift_right_arithmetic3A_1029 : i32 to vector<16xi32>
        %shift_right_arithmetic3A_1031 = arith.shrsi %get3A_1028, %shift_right_arithmetic3A_1030 : vector<16xi32>
        %swap3A_1032 = arith.constant 0 : i32
        %swap3A_1033 = arith.index_cast %swap3A_1032 : i32 to index
        %swap3A_1034 = arith.constant 400 : index
        %swap3A_1035 = tpu.vector_load %arg9[%swap3A_1033, %swap3A_1034] {strides = array<i32>} : memref<1x416xi32, #tpu.memory_space<vmem>>, vector<16xi32>,
        tpu.vector_store %arg9[%swap3A_1033, %swap3A_1034], %shift_right_arithmetic3A_1031 {strides = array<i32>} : memref<1x416xi32, #tpu.memory_space<vmem>>, vector<16xi32>,
        %and3A_1036 = arith.constant 63 : i32
        %and3A_1037 = vector.broadcast %and3A_1036 : i32 to vector<16xi32>
        %and3A_1038 = arith.andi %get3A_1028, %and3A_1037 : vector<16xi32>
        %swap3A_1039 = arith.constant 0 : i32
        %swap3A_1040 = arith.index_cast %swap3A_1039 : i32 to index
        %swap3A_1041 = arith.constant 400 : index
        %swap3A_1042 = tpu.vector_load %arg11[%swap3A_1040, %swap3A_1041] {strides = array<i32>} : memref<1x416xi32, #tpu.memory_space<vmem>>, vector<16xi32>,
        tpu.vector_store %arg11[%swap3A_1040, %swap3A_1041], %and3A_1038 {strides = array<i32>} : memref<1x416xi32, #tpu.memory_space<vmem>>, vector<16xi32>,
        %ge3A = arith.constant 1 : i32
        %ge3A_1043 = arith.cmpi sge, %add3A_485, %ge3A : i32
        %convert_element_type3A_1044 = arith.extui %ge3A_1043 : i1 to i32
        %cond3A_1045 = arith.constant 0 : i32
        %cond3A_1046 = arith.cmpi ne, %convert_element_type3A_1044, %cond3A_1045 : i32
        scf.if %cond3A_1046 {
          %sub3A = arith.constant 1 : i32
          %sub3A_1054 = arith.subi %add3A_485, %sub3A : i32
          %mul3A_1055 = arith.constant 416 : i32
          %mul3A_1056 = arith.muli %sub3A_1054, %mul3A_1055 : i32
          %add3A_1057 = arith.addi %mul3A_2, %mul3A_1056 : i32
          %dma_wait3A_1058 = arith.constant 0 : i32
          %dma_wait3A_1059 = tpu.memref_slice %arg5[%add3A_1057, %dma_wait3A_1058] : memref<425984x64xf32, #tpu.memory_space<hbm>> -> memref<416x64xf32, #tpu.memory_space<hbm>>
          %dma_wait3A_1060 = arith.constant 0 : i32
          %dma_wait3A_1061 = tpu.memref_slice %arg5[%add3A_1057, %dma_wait3A_1060] : memref<425984x64xf32, #tpu.memory_space<hbm>> -> memref<416x64xf32, #tpu.memory_space<hbm>>
          tpu.wait_dma2 semaphore(%arg20 : memref<!tpu.dma_semaphore, #tpu.memory_space<semaphore_mem>>) src(%arg13 : memref<416x64xf32, #tpu.memory_space<vmem>>) dst(%dma_wait3A_1061 : memref<416x64xf32, #tpu.memory_space<hbm>>)
        } else {
        }
        %dma_start3A_1047 = arith.constant 0 : i32
        %dma_start3A_1048 = arith.constant 0 : i32
        %dma_start3A_1049 = tpu.memref_slice %arg9[%dma_start3A_1047, %dma_start3A_1048] : memref<1x416xi32, #tpu.memory_space<vmem>> -> memref<1x416xi32, #tpu.memory_space<vmem>>
        %dma_start3A_1050 = tpu.memref_squeeze %dma_start3A_1049 : memref<1x416xi32, #tpu.memory_space<vmem>> -> memref<416xi32, #tpu.memory_space<vmem>>
        %dma_start3A_1051 = arith.constant 0 : i32
        %dma_start3A_1052 = arith.constant 0 : i32
        %dma_start3A_1053 = tpu.memref_slice %arg6[%dma_start3A_1051, %dma_start3A_1052] : memref<15627x64xf32, #tpu.memory_space<vmem_shared>> -> memref<15627x64xf32, #tpu.memory_space<vmem_shared>>
        tpu.enqueue_indirect_dma source(%dma_start3A_1053 : memref<15627x64xf32, #tpu.memory_space<vmem_shared>>) target(%arg13 : memref<416x64xf32, #tpu.memory_space<vmem>>) offsets(%dma_start3A_1050 : memref<416xi32, #tpu.memory_space<vmem>>) semaphore(%arg16 : memref<!tpu.dma_semaphore, #tpu.memory_space<semaphore_mem>>)
      } else {
      }
      %dma_wait3A_493 = arith.constant 0 : i32
      %dma_wait3A_494 = arith.constant 0 : i32
      %dma_wait3A_495 = tpu.memref_slice %arg10[%dma_wait3A_493, %dma_wait3A_494] : memref<1x416xi32, #tpu.memory_space<vmem>> -> memref<1x416xi32, #tpu.memory_space<vmem>>
      %dma_wait3A_496 = tpu.memref_squeeze %dma_wait3A_495 : memref<1x416xi32, #tpu.memory_space<vmem>> -> memref<416xi32, #tpu.memory_space<vmem>>
      %dma_wait3A_497 = arith.constant 0 : i32
      %dma_wait3A_498 = arith.constant 0 : i32
      %dma_wait3A_499 = tpu.memref_slice %arg6[%dma_wait3A_497, %dma_wait3A_498] : memref<15627x64xf32, #tpu.memory_space<vmem_shared>> -> memref<15627x64xf32, #tpu.memory_space<vmem_shared>>
      tpu.wait_indirect_dma semaphore(%arg17 : memref<!tpu.dma_semaphore, #tpu.memory_space<semaphore_mem>>) src(%dma_wait3A_499 : memref<15627x64xf32, #tpu.memory_space<vmem_shared>>) dst(%arg14 : memref<416x64xf32, #tpu.memory_space<vmem>>)
      %dma_start3A_500 = arith.constant 0 : i32
      %dma_start3A_501 = arith.constant 0 : i32
      %dma_start3A_502 = tpu.memref_slice %arg12[%dma_start3A_500, %dma_start3A_501] : memref<1x416xi32, #tpu.memory_space<vmem>> -> memref<1x416xi32, #tpu.memory_space<vmem>>
      %dma_start3A_503 = tpu.memref_squeeze %dma_start3A_502 : memref<1x416xi32, #tpu.memory_space<vmem>> -> memref<416xi32, #tpu.memory_space<vmem>>
      %dma_start3A_504 = arith.constant 0 : i32
      %dma_start3A_505 = arith.constant 0 : i32
      %dma_start3A_506 = tpu.memref_slice %arg7[%dma_start3A_504, %dma_start3A_505] : memref<64x64xf32, #tpu.memory_space<vmem_shared>> -> memref<64x64xf32, #tpu.memory_space<vmem_shared>>
      tpu.enqueue_indirect_dma source(%dma_start3A_506 : memref<64x64xf32, #tpu.memory_space<vmem_shared>>) target(%arg14 : memref<416x64xf32, #tpu.memory_space<vmem>>) offsets(%dma_start3A_503 : memref<416xi32, #tpu.memory_space<vmem>>) semaphore(%arg19 : memref<!tpu.dma_semaphore, #tpu.memory_space<semaphore_mem>>) {add = true}
      %dma_wait3A_507 = arith.constant 0 : i32
      %dma_wait3A_508 = arith.constant 0 : i32
      %dma_wait3A_509 = tpu.memref_slice %arg12[%dma_wait3A_507, %dma_wait3A_508] : memref<1x416xi32, #tpu.memory_space<vmem>> -> memref<1x416xi32, #tpu.memory_space<vmem>>
      %dma_wait3A_510 = tpu.memref_squeeze %dma_wait3A_509 : memref<1x416xi32, #tpu.memory_space<vmem>> -> memref<416xi32, #tpu.memory_space<vmem>>
      %dma_wait3A_511 = arith.constant 0 : i32
      %dma_wait3A_512 = arith.constant 0 : i32
      %dma_wait3A_513 = tpu.memref_slice %arg7[%dma_wait3A_511, %dma_wait3A_512] : memref<64x64xf32, #tpu.memory_space<vmem_shared>> -> memref<64x64xf32, #tpu.memory_space<vmem_shared>>
      tpu.wait_indirect_dma semaphore(%arg19 : memref<!tpu.dma_semaphore, #tpu.memory_space<semaphore_mem>>) src(%dma_wait3A_513 : memref<64x64xf32, #tpu.memory_space<vmem_shared>>) dst(%arg14 : memref<416x64xf32, #tpu.memory_space<vmem>>)
      %mul3A_514 = arith.constant 416 : i32
      %mul3A_515 = arith.muli %add3A_485, %mul3A_514 : i32
      %add3A_516 = arith.addi %mul3A_2, %mul3A_515 : i32
      %dma_start3A_517 = arith.constant 0 : i32
      %dma_start3A_518 = tpu.memref_slice %arg5[%add3A_516, %dma_start3A_517] : memref<425984x64xf32, #tpu.memory_space<hbm>> -> memref<416x64xf32, #tpu.memory_space<hbm>>
      %dma_start3A_519 = arith.constant 0 : i32
      %dma_start3A_520 = tpu.memref_slice %arg5[%add3A_516, %dma_start3A_519] : memref<425984x64xf32, #tpu.memory_space<hbm>> -> memref<416x64xf32, #tpu.memory_space<hbm>>
      tpu.enqueue_dma source(%arg14 : memref<416x64xf32, #tpu.memory_space<vmem>>) target(%dma_start3A_520 : memref<416x64xf32, #tpu.memory_space<hbm>>) target_semaphore(%arg21 : memref<!tpu.dma_semaphore, #tpu.memory_space<semaphore_mem>>)
    }
    %scan3A_430 = arith.constant 16 : i32
    %add3A_431 = arith.constant 12480 : i32
    %add3A_432 = arith.addi %mul3A_2, %add3A_431 : i32
    %dma_wait3A_433 = arith.constant 0 : i32
    %dma_wait3A_434 = tpu.memref_slice %arg5[%add3A_432, %dma_wait3A_433] : memref<425984x64xf32, #tpu.memory_space<hbm>> -> memref<416x64xf32, #tpu.memory_space<hbm>>
    %dma_wait3A_435 = arith.constant 0 : i32
    %dma_wait3A_436 = tpu.memref_slice %arg5[%add3A_432, %dma_wait3A_435] : memref<425984x64xf32, #tpu.memory_space<hbm>> -> memref<416x64xf32, #tpu.memory_space<hbm>>
    tpu.wait_dma2 semaphore(%arg20 : memref<!tpu.dma_semaphore, #tpu.memory_space<semaphore_mem>>) src(%arg13 : memref<416x64xf32, #tpu.memory_space<vmem>>) dst(%dma_wait3A_436 : memref<416x64xf32, #tpu.memory_space<hbm>>)
    %add3A_437 = arith.constant 12896 : i32
    %add3A_438 = arith.addi %mul3A_2, %add3A_437 : i32
    %dma_wait3A_439 = arith.constant 0 : i32
    %dma_wait3A_440 = tpu.memref_slice %arg5[%add3A_438, %dma_wait3A_439] : memref<425984x64xf32, #tpu.memory_space<hbm>> -> memref<416x64xf32, #tpu.memory_space<hbm>>
    %dma_wait3A_441 = arith.constant 0 : i32
    %dma_wait3A_442 = tpu.memref_slice %arg5[%add3A_438, %dma_wait3A_441] : memref<425984x64xf32, #tpu.memory_space<hbm>> -> memref<416x64xf32, #tpu.memory_space<hbm>>
    tpu.wait_dma2 semaphore(%arg21 : memref<!tpu.dma_semaphore, #tpu.memory_space<semaphore_mem>>) src(%arg14 : memref<416x64xf32, #tpu.memory_space<vmem>>) dst(%dma_wait3A_442 : memref<416x64xf32, #tpu.memory_space<hbm>>)
    return
  }
}

</mosaic_0001>

<sc_bundles>
// kernel: _qr_embed.3.cloned.1.call-start
scs
__scs_entry_jumppad:
0x0: {  	(pc) =	sbr.rel $0x88, $3  }
0x1: {  	(tag) =	ssettag $0x0;
	lr =	simm.s32 $0x1  }
0x2: {  	[smem:$0x3F9E] =	sst lr;
	_ =	strace $0xD0000000  }
0x3: {  	_ = 	snop  }
0x4: {  	_ = 	snop  }
0x5: {  	_ = 	snop  }
0x6: {  	_ = 	snop  }
0x7: {  	_ = 	snop  }
__scs_overlays_trampoline_lowered:
0x8: {  	[smem:$0x3FAD] =	sst s0  }
0x9: {  	[smem:$0x3FAE] =	sst s1  }
0xa: {  	[smem:$0x3FAF] =	sst s2  }
0xb: {  	[smem:$0x3FB0] =	sst s3  }
0xc: {  	[smem:$0x3FB1] =	sst s4  }
0xd: {  	[smem:$0x3FB2] =	sst s5  }
0xe: {  	[smem:$0x3FB3] =	sst s6  }
0xf: {  	[smem:$0x3FB4] =	sst s7  }
0x10: {  	[smem:$0x3FB5] =	sst s8  }
0x11: {  	[smem:$0x3FB6] =	sst s9;
	s0 =	simm.s32 @!p0 $0x0  }
0x12: {  	s1 =	sld [smem:$0x3F9C];
	s0 =	simm.s32 @p0 $0x1  }
0x13: {  	[smem:$0x3FB7] =	sst s0;
	s0 =	simm.s32 @!p1 $0x0  }
0x14: {  	s2 =	sld [smem:$0x3F9B];
	s0 =	simm.s32 @p1 $0x1  }
0x15: {  	[smem:$0x3FB8] =	sst s0;
	s0 =	simm.s32 @!p2 $0x0  }
0x16: {  	s3 =	sld [smem:$0x3FDB];
	s0 =	simm.s32 @p2 $0x1  }
0x17: {  	s4 =	simm.s32 $0x1BF5;
	[smem:$0x3FBA] =	sst s0  }
0x18: {  	s0 =	sld [smem:$0x3F9D];
	_ =	swait.ge [sflag:s4], $0x0  }
0x19: {  	s7 =	sld [smem:$0x3F9E]  }
0x1a: {  	s8 =	sadd.s32 $0xFFFFE003, lr  }
0x1b: {  	s9 =	sadd.s32 $0xFFFFFEF7, lr;
	s5 =	simm.s32 $0xFFFFFFFF;
	p2 =	slt.u32 s8, $0xFFFFF086  }
0x1c: {  	p1 =	slt.u32 s9, $0xF7A;
	s5 =	simm.s32 @!p2 $0x0  }
0x1d: {  	s5 =	simm.s32 @p1 $0x1;
	p0 =	seq.s32 s7, s2  }
0x1e: {  	s7 =	smul.u32 @!p0 $0xF7A, s2;
	p2 =	seq.s32 @!p0 s5, $0x0  }
0x1f: {  	s9 =	smul.u32 $0xF7A, s1;
	s8 =	simm.s32 @!p0 $0x1BF5;
	p2 =	por !p2, p0  }
0x20: {  	[sflag:s8] =	ssyncset.s32 @!p0 $0xFFFFF086;
	s6 =	sadd.s32 @!p0 s3, s7;
	s7 =	simm.s32 @!p0 $0x108  }
0x21: {  	s3 =	sadd.s32 s3, s9;
	s6 =	sadd.s32 @!p0 $0x88, s6;
	s7 =	simm.s32 @p2 $0x1082  }
0x22: {  	[simem:s7], [sflag:s8] =	dma.local @!p0 [hbm:s6], $0xF7A  }
0x23: {  	s9 =	sor.u32 $0xD0000000, s2;
	s6 =	simm.s32 $0x108;
	_ =	swait.ge @!p0 [sflag:s8], $0x0  }
0x24: {  	s3 =	sadd.s32 $0x88, s3;
	s6 =	simm.s32 @!p1 $0x1082;
	[sflag:s4] =	ssyncset.s32 $0xFFFFF086  }
0x25: {  	[simem:s6], [sflag:s4] =	dma.local [hbm:s3], $0xF7A  }
0x26: {  	[smem:$0x3F9E] =	sst s1;
	(tag) =	ssettag s2;
	_ =	strace s9  }
0x27: {  	s1 =	sld [smem:$0x3FAE]  }
0x28: {  	s2 =	sld [smem:$0x3FAF]  }
0x29: {  	s4 =	sld [smem:$0x3FB1]  }
0x2a: {  	p0 =	seq.s32 s5, $0x0;
	s5 =	sld [smem:$0x3FB2]  }
0x2b: {  	s6 =	sld [smem:$0x3FB3]  }
0x2c: {  	s7 =	sld [smem:$0x3FB4]  }
0x2d: {  	s3 =	simm.s32 $0x108;
	s8 =	sld [smem:$0x3FB5]  }
0x2e: {  	s3 =	simm.s32 @!p0 $0x1082;
	s9 =	sld [smem:$0x3FB6]  }
0x2f: {  	lr =	sadd.s32 s0, s3;
	s0 =	sld [smem:$0x3FAD]  }
0x30: {  	s3 =	sld [smem:$0x3FB0]  }
0x31: {  	[smem:$0x3FB9] =	sst s10  }
0x32: {  	s10 =	sld [smem:$0x3FB7];
	_ =	sdelay $0x3  }
0x33: {  	p0 =	seq.s32 s10, $0x1;
	s10 =	sld [smem:$0x3FB9];
	_ =	sdelay $0x3  }
0x34: {  	[smem:$0x3FB9] =	sst s10  }
0x35: {  	s10 =	sld [smem:$0x3FB8];
	_ =	sdelay $0x3  }
0x36: {  	p1 =	seq.s32 s10, $0x1;
	s10 =	sld [smem:$0x3FB9];
	_ =	sdelay $0x3  }
0x37: {  	[smem:$0x3FB9] =	sst s10  }
0x38: {  	s10 =	sld [smem:$0x3FBA]  }
0x39: {  	_ = 	snop;
	(pc) =	sbr.ind lr, $3  }
0x3a: {  	_ = 	snop  }
0x3b: {  	_ = 	snop  }
0x3c: {  	p2 =	seq.s32 s10, $0x1;
	s10 =	sld [smem:$0x3FB9]  }
0x3d: {  	_ =	shalt  }
0x3e: {  	_ =	shalt  }
0x3f: {  	_ =	shalt  }
0x40: {  	_ =	shalt  }
0x41: {  	_ =	shalt  }
0x42: {  	_ =	shalt  }
0x43: {  	_ =	shalt  }
0x44: {  	_ =	shalt  }
0x45: {  	_ =	shalt  }
0x46: {  	_ =	shalt  }
0x47: {  	_ =	shalt  }
0x48: {  	_ =	shalt  }
0x49: {  	_ =	shalt  }
0x4a: {  	_ =	shalt  }
0x4b: {  	_ =	shalt  }
0x4c: {  	_ =	shalt  }
0x4d: {  	_ =	shalt  }
0x4e: {  	_ =	shalt  }
0x4f: {  	_ =	shalt  }
0x50: {  	_ =	shalt  }
0x51: {  	_ =	shalt  }
0x52: {  	_ =	shalt  }
0x53: {  	_ =	shalt  }
0x54: {  	_ =	shalt  }
0x55: {  	_ =	shalt  }
0x56: {  	_ =	shalt  }
0x57: {  	_ =	shalt  }
0x58: {  	_ =	shalt  }
0x59: {  	_ =	shalt  }
0x5a: {  	_ =	shalt  }
0x5b: {  	_ =	shalt  }
0x5c: {  	_ =	shalt  }
0x5d: {  	_ =	shalt  }
0x5e: {  	_ =	shalt  }
0x5f: {  	_ =	shalt  }
0x60: {  	_ =	shalt  }
0x61: {  	_ =	shalt  }
0x62: {  	_ =	shalt  }
0x63: {  	_ =	shalt  }
0x64: {  	_ =	shalt  }
0x65: {  	_ =	shalt  }
0x66: {  	_ =	shalt  }
0x67: {  	_ =	shalt  }
0x68: {  	_ =	shalt  }
0x69: {  	_ =	shalt  }
0x6a: {  	_ =	shalt  }
0x6b: {  	_ =	shalt  }
0x6c: {  	_ =	shalt  }
0x6d: {  	_ =	shalt  }
0x6e: {  	_ =	shalt  }
0x6f: {  	_ =	shalt  }
0x70: {  	_ =	shalt  }
0x71: {  	_ =	shalt  }
0x72: {  	_ =	shalt  }
0x73: {  	_ =	shalt  }
0x74: {  	_ =	shalt  }
0x75: {  	_ =	shalt  }
0x76: {  	_ =	shalt  }
0x77: {  	_ =	shalt  }
0x78: {  	_ =	shalt  }
0x79: {  	_ =	shalt  }
0x7a: {  	_ =	shalt  }
0x7b: {  	_ =	shalt  }
0x7c: {  	_ =	shalt  }
0x7d: {  	_ =	shalt  }
0x7e: {  	_ =	shalt  }
0x7f: {  	_ =	shalt  }
0x80: {  	_ =	shalt  }
0x81: {  	_ =	shalt  }
0x82: {  	_ =	shalt  }
0x83: {  	_ =	shalt  }
0x84: {  	_ =	shalt  }
0x85: {  	_ =	shalt  }
0x86: {  	_ =	shalt  }
0x87: {  	_ =	shalt  }
.Lfunc_end0:
.L_simem_size_0:
called_computation.1_lowered:
.L_overlay_start_0:
0x88: {  	s2 =	sld [smem:$0x3FD9]  }
0x89: {  	s3 =	sld [smem:$0x3FFE];
	_ =	sdelay $0x1  }
0x8a: {  	s1 =	srdreg.scid  }
0x8b: {  	s0 =	sand.u32 $0x1, s1  }
0x8c: {  	s17 =	sshll.u32 s0, $0xA;
	s2 =	sadd.s32 s3, s2  }
0x8d: {  	s2 =	sadd.s32 s2, s17  }
0x8e: {  	[smem:$0x3FC5] =	sst s2  }
0x8f: {  	_ = 	snop  }
0x90: {  	s2 =	sld [smem:$0x3FC9]  }
0x91: {  	s18 =	sld [smem:$0x3FD0];
	(tm) =	ssettm $0x1  }
0x92: {  	s4 =	sld [smem:$0x3FFB];
	_ =	sdelay $0x3  }
0x93: {  	_ =	strace s4  }
0x94: {  	s4 =	sld [smem:$0x3FFC];
	_ =	sdelay $0x3  }
0x95: {  	_ =	strace s4  }
0x96: {  	s4 =	sld [smem:$0x3FFD];
	_ =	sdelay $0x3  }
0x97: {  	_ =	strace s4  }
0x98: {  	_ =	strace $0x8FFFFFFF  }
0x99: {  	s19 =	sld [smem:$0x3FDB];
	_ =	sdelay $0x1  }
0x9a: {  	s5 =	simm.s32 $_scs_section_size  }
0x9b: {  	s6 =	simm.s32 $_size__tile_overlayer_lowered;
	s7 =	simm.s32 $_tile_overlayer_lowered  }
0x9c: {  	s22 =	simm.s32 $0x1BFF;
	s21 =	sshll.u32 s7, $0x1;
	s4 =	sadd.s32 s5, s19  }
0x9d: {  	s8 =	simm.s32 $0x0;
	s20 =	sshll.u32 s6, $0x1;
	s6 =	sadd.s32 s21, s4  }
0x9e: {  	[timem:s8], [sflag:s22] =	dma.local [hbm:s6], s20  }
0x9f: {  	_ =	swait.ge [sflag:s22], s20  }
0xa0: {  	s5 =	ssub.s32 $0x0, s20;
	[sflag:s22] =	ssyncset.done $0x0  }
0xa1: {  	[sflag:s22] =	ssyncadd.s32 s5;
	_ =	sdelay $0x1  }
0xa2: {  	s23 =	simm.s32 $0x1B8B  }
0xa3: {  	_ =	swait.ge [sflag:s23], $0x1  }
0xa4: {  	[sflag:s23] =	ssyncset.done $0x0  }
0xa5: {  	s25 =	simm.s32 $0x1B8E;
	s24 =	sld [smem:$0x3FFE];
	[sflag:s23] =	ssyncadd.s32 $0xFFFFFFFF  }
0xa6: {  	s26 =	simm.s32 $execute0_lowered;
	[smem:$0x3FD2] =	sst s25  }
0xa7: {  	s6 =	sshll.u32 s26, $0x1;
	_ =	strace $0x80000046;
	[dreg:$0x1] =	wrdreg $0xFFFFFFFF  }
0xa8: {  	s28 =	simm.s32 $_size_execute0_lowered;
	s4 =	sadd.s32 s4, s6;
	[dreg:$0x0] =	wrdreg $0x0  }
0xa9: {  	s6 =	sshll.u32 s28, $0x1;
	[dreg:$0x2] =	wrdreg s4  }
0xaa: {  	[dreg:$0x3] =	wrdreg s6  }
0xab: {  	[dreg:$0x4] =	wrdreg $0xC0  }
0xac: {  	_ =	task [dreg:s8], $0x5FFFF  }
0xad: {  	[dreg:$0x1] =	wrdreg $0xFFFFFFFF  }
0xae: {  	[dreg:$0x0] =	wrdreg $0x60  }
0xaf: {  	[dreg:$0x2] =	wrdreg s2  }
0xb0: {  	[dreg:$0x3] =	wrdreg s24  }
0xb1: {  	[dreg:$0x4] =	wrdreg s18  }
0xb2: {  	[dreg:$0x5] =	wrdreg $0x0  }
0xb3: {  	[dreg:$0x6] =	wrdreg $0xF4300  }
0xb4: {  	[dreg:$0x7] =	wrdreg $0x9  }
0xb5: {  	_ =	task.clear_ibuf [dreg:s8], $0x8FFFF;
	_ =	strace $0x90000046  }
0xb6: {  	s29 =	simm.s32 $0x9;
	_ =	strace $0x80000048  }
0xb7: {  	_ =	swait.ge [sflag:s29], $0x1  }
0xb8: {  	[sflag:s29] =	ssyncadd.s32 $0xFFFFFFFF  }
0xb9: {  	_ =	strace $0x90000048  }
0xba: {  	_ =	sfence  }
0xbb: {  	s30 =	sld [smem:$0x0];
	_ =	sdelay $0x2  }
0xbc: {  	s31 =	sshll.u32 s1, $0xD;
	s1 =	sshrl.u32 s1, $0x2  }
0xbd: {  	s3 =	sand.u32 $0x4000, s31;
	s1 =	sadd.s32 s1, s30  }
0xbe: {  	s0 =	sor.u32 s3, s0;
	s1 =	sshll.u32 s1, $0x11  }
0xbf: {  	s0 =	sor.u32 s1, s0  }
0xc0: {  	s0 =	sadd.s32 $0x8F2B, s0  }
0xc1: {  	[sflag:s0] =	ssyncadd.remote.s32 $0x1  }
0xc2: {  	_ =	sfence.sel $0xFFFF  }
0xc3: {  	[dreg:$0x0] =	wrdreg $0xFFFFFFFF;
	(pc) =	sbr.abs _section_cstart, $3  }
0xc4: {  	[dreg:$0x1] =	wrdreg $0xFFFFFFFF  }
0xc5: {  	_ =	task.clear_ibuf [dreg:s8], $0x2FFFF;
	_ =	strace $0x9FFFFFFF  }
0xc6: {  	(tm) =	ssettm $0x7FFFFFFF  }
0xc7: {  	_ =	shalt  }
tec
execute0_lowered:
.L_overlay_start_1:
0x0: {  	(tag) =	ssettag $0x1  }
0x1: {  	s6 =	rddreg [dreg:$0x0]  }
0x2: {  	s5 =	rddreg [dreg:$0x1]  }
0x3: {  	s8 =	rddreg [dreg:$0x2]  }
0x4: {  	s0 =	srdreg.scid;
	s1 =	rddreg [dreg:$0x3]  }
0x5: {  	s10 =	stileid.u32;
	s2 =	rddreg [dreg:$0x4];
	s3 =	simm.s32 $0x0  }
0x6: {  	s15 =	simm.s32 $0x12930;
	s16 =	simm.s32 $0x12FB0;
	s17 =	simm.s32 $0x12AD0  }
0x7: {  	s18 =	simm.s32 $0x197B0;
	s19 =	simm.s32 $0x2;
	s20 =	simm.s32 $0x12C70  }
0x8: {  	s21 =	simm.s32 $0x4;
	s22 =	simm.s32 $0x3;
	s23 =	simm.s32 $0x12E10  }
0x9: {  	s24 =	simm.s32 $0x5;
	s25 =	simm.s32 $0x6;
	s28 =	simm.s32 $0x0  }
0xa: {  	s7 =	sand.u32 $0x1, s0;
	s0 =	rddreg [dreg:$0x5];
	s12 =	smul.u32 $0x6800, s10  }
0xb: {  	s26 =	sshll.u32 s10, $0x1;
	[smem:$0x7FF] =	sst s3;
	s29 =	smul.u32 $0x34000, s10  }
0xc: {  	p0 =	sne.s32 s10, $0x0;
	s10 =	simm.s32 $0xF530;
	s14 =	smul.u32 $0x3400, s7  }
0xd: {  	s4 =	sor.u32 s7, s26;
	s11 =	ssub.s32 $0x2, s7;
	s30 =	smul.u32 $0x1A000, s7  }
0xe: {  	_ =	strace $0x80000047;
	s26 =	simm.s32 $0x7;
	s9 =	smul.u32 $0x3400, s4  }
0xf: {  	s13 =	sshrl.u32 s11, $0x1;
	s4 =	sadd.s32 $0xA00, s5;
	s5 =	sadd.s32 $0x800, s5  }
.Ltmp0:
0x10: {  	s31 =	sadd.s32 s29, s8;
	s11 =	ssub.s32 s11, s13;
	(pc) =	sbr.rel .LBB2_1-.Ltmp0, $4  }
0x11: {  	s12 =	sadd.s32 s14, s12;
	s13 =	simm.s32 $0x1;
	s14 =	simm.s32 $0x1A0  }
0x12: {  	s9 =	sshrl.u32 s9, $0x3;
	s12 =	sshll.u32 s12, $0x3;
	s7 =	smax.u32 s11, $0x1  }
0x13: {  	s11 =	sshrl.u32 @!p0 s1, $0x3;
	s6 =	sadd.s32 s6, s9;
	s12 =	sadd.s32 s12, s8  }
0x14: {  	s8 =	sadd.s32 s30, s31;
	s9 =	sadd.s32 $0xD00, s12;
	s12 =	sshrl.u32 @!p0 s2, $0x3  }
.LBB2_5:
0x15: {  	s28 =	sadd.s32 $0x1, s28  }
0x16: {  	_ =	swait.ge [sflag:s25], $0x6800;
	p1 =	sne.s32 s28, s7  }
.Ltmp1:
0x17: {  	[sflag:s25] =	ssyncset.done $0x0;
	(pc) =	sbr.rel @!p1 .LBB2_6-.Ltmp1, $4  }
0x18: {  	[sflag:s25] =	ssyncadd.s32 $0xFFFF9800  }
0x19: {  	_ =	swait.ge [sflag:s26], $0x6800  }
0x1a: {  	[sflag:s26] =	ssyncset.done $0x0  }
0x1b: {  	[sflag:s26] =	ssyncadd.s32 $0xFFFF9800  }
.LBB2_1:
0x1c: {  	[tilespmem:s10], [sflag:$0x1] =	stream.linear.gather [hbm4b:s6+s3], $0x3400, $0x38;
	[tilespmem:$0x1FFB0] =	vst v63  }
0x1d: {  	s29 =	simm.s32 @!p0 $0x1C08;
	s30 =	simm.s32 @!p0 $0x8  }
0x1e: {  	[spmem:s11], [sflag:s29] =	dma.local @!p0 [hbm:s4], $0x1E858  }
0x1f: {  	_ =	swait.ge @!p0 [sflag:s30], $0x1E858  }
0x20: {  	[sflag:s30] =	ssyncset.done @!p0 $0x0  }
0x21: {  	[sflag:s30] =	ssyncadd.s32 @!p0 $0xFFFE17A8  }
0x22: {  	[spmem:s12], [sflag:s29] =	dma.local @!p0 [hbm:s5], $0x200  }
0x23: {  	_ =	swait.ge @!p0 [sflag:s30], $0x200  }
0x24: {  	[sflag:s30] =	ssyncset.done @!p0 $0x0  }
0x25: {  	[sflag:s30] =	ssyncadd.s32 @!p0 $0xFFFFFE00  }
0x26: {  	[bflag:$0x0] =	sbarrier.arrive $0xFFFF  }
0x27: {  	_ =	swait.ge [sflag:s13], $0x3400  }
0x28: {  	[sflag:s13] =	ssyncset.done $0x0  }
0x29: {  	[sflag:s13] =	ssyncadd.s32 $0xFFFFCC00  }
0x2a: {  	v0 =	vld [tilespmem:$0xF530];
	_ =	sdelay $0x1  }
0x2b: {  	v1 =	vld [tilespmem:$0xF540];
	_ =	sdelay $0x1  }
0x2c: {  	v2 =	vld [tilespmem:$0xF550]  }
0x2d: {  	v3 =	vshra.s32 v0, $0x6  }
0x2e: {  	v51 =	vld [tilespmem:$0xF560];
	v0 =	vand.u32 $0x3F, v0;
	[tilespmem:$0x12930] =	vst v3  }
0x2f: {  	v52 =	vshra.s32 v1, $0x6;
	[tilespmem:$0x12C70] =	vst v0  }
0x30: {  	v54 =	vld [tilespmem:$0xF570];
	v53 =	vand.u32 $0x3F, v1;
	[tilespmem:$0x12940] =	vst v52  }
0x31: {  	v55 =	vshra.s32 v2, $0x6;
	[tilespmem:$0x12C80] =	vst v53  }
0x32: {  	v57 =	vld [tilespmem:$0xF580];
	v56 =	vand.u32 $0x3F, v2;
	[tilespmem:$0x12950] =	vst v55  }
0x33: {  	v58 =	vshra.s32 v51, $0x6;
	[tilespmem:$0x12C90] =	vst v56  }
0x34: {  	v60 =	vld [tilespmem:$0xF590];
	v59 =	vand.u32 $0x3F, v51;
	[tilespmem:$0x12960] =	vst v58  }
0x35: {  	v61 =	vshra.s32 v54, $0x6;
	[tilespmem:$0x12CA0] =	vst v59  }
0x36: {  	v63 =	vld [tilespmem:$0xF5A0];
	v62 =	vand.u32 $0x3F, v54;
	[tilespmem:$0x12970] =	vst v61  }
0x37: {  	v4 =	vshra.s32 v57, $0x6;
	[tilespmem:$0x12CB0] =	vst v62  }
0x38: {  	v6 =	vld [tilespmem:$0xF5B0];
	v5 =	vand.u32 $0x3F, v57;
	[tilespmem:$0x12980] =	vst v4  }
0x39: {  	v7 =	vshra.s32 v60, $0x6;
	[tilespmem:$0x12CC0] =	vst v5  }
0x3a: {  	v9 =	vld [tilespmem:$0xF5C0];
	v8 =	vand.u32 $0x3F, v60;
	[tilespmem:$0x12990] =	vst v7  }
0x3b: {  	v10 =	vshra.s32 v63, $0x6;
	[tilespmem:$0x12CD0] =	vst v8  }
0x3c: {  	v12 =	vld [tilespmem:$0xF5D0];
	v11 =	vand.u32 $0x3F, v63;
	[tilespmem:$0x129A0] =	vst v10  }
0x3d: {  	v13 =	vshra.s32 v6, $0x6;
	[tilespmem:$0x12CE0] =	vst v11  }
0x3e: {  	v15 =	vld [tilespmem:$0xF5E0];
	v14 =	vand.u32 $0x3F, v6;
	[tilespmem:$0x129B0] =	vst v13  }
0x3f: {  	v16 =	vshra.s32 v9, $0x6;
	[tilespmem:$0x12CF0] =	vst v14  }
0x40: {  	v18 =	vld [tilespmem:$0xF5F0];
	v17 =	vand.u32 $0x3F, v9;
	[tilespmem:$0x129C0] =	vst v16  }
0x41: {  	v19 =	vshra.s32 v12, $0x6;
	[tilespmem:$0x12D00] =	vst v17  }
0x42: {  	v21 =	vld [tilespmem:$0xF600];
	v20 =	vand.u32 $0x3F, v12;
	[tilespmem:$0x129D0] =	vst v19  }
0x43: {  	v22 =	vshra.s32 v15, $0x6;
	[tilespmem:$0x12D10] =	vst v20  }
0x44: {  	v24 =	vld [tilespmem:$0xF610];
	v23 =	vand.u32 $0x3F, v15;
	[tilespmem:$0x129E0] =	vst v22  }
0x45: {  	v25 =	vshra.s32 v18, $0x6;
	[tilespmem:$0x12D20] =	vst v23  }
0x46: {  	v27 =	vld [tilespmem:$0xF620];
	v26 =	vand.u32 $0x3F, v18;
	[tilespmem:$0x129F0] =	vst v25  }
0x47: {  	v28 =	vshra.s32 v21, $0x6;
	[tilespmem:$0x12D30] =	vst v26  }
0x48: {  	v30 =	vld [tilespmem:$0xF630];
	v29 =	vand.u32 $0x3F, v21;
	[tilespmem:$0x12A00] =	vst v28  }
0x49: {  	v31 =	vshra.s32 v24, $0x6;
	[tilespmem:$0x12D40] =	vst v29  }
0x4a: {  	v33 =	vld [tilespmem:$0xF640];
	v32 =	vand.u32 $0x3F, v24;
	[tilespmem:$0x12A10] =	vst v31  }
0x4b: {  	v34 =	vshra.s32 v27, $0x6;
	[tilespmem:$0x12D50] =	vst v32  }
0x4c: {  	v36 =	vld [tilespmem:$0xF650];
	v35 =	vand.u32 $0x3F, v27;
	[tilespmem:$0x12A20] =	vst v34  }
0x4d: {  	v37 =	vshra.s32 v30, $0x6;
	[tilespmem:$0x12D60] =	vst v35  }
0x4e: {  	v39 =	vld [tilespmem:$0xF660];
	v38 =	vand.u32 $0x3F, v30;
	[tilespmem:$0x12A30] =	vst v37  }
0x4f: {  	v40 =	vshra.s32 v33, $0x6;
	[tilespmem:$0x12D70] =	vst v38  }
0x50: {  	v42 =	vld [tilespmem:$0xF670];
	v41 =	vand.u32 $0x3F, v33;
	[tilespmem:$0x12A40] =	vst v40  }
0x51: {  	v43 =	vshra.s32 v36, $0x6;
	[tilespmem:$0x12D80] =	vst v41  }
0x52: {  	v45 =	vld [tilespmem:$0xF680];
	v44 =	vand.u32 $0x3F, v36;
	[tilespmem:$0x12A50] =	vst v43  }
0x53: {  	v46 =	vshra.s32 v39, $0x6;
	[tilespmem:$0x12D90] =	vst v44  }
0x54: {  	v48 =	vld [tilespmem:$0xF690];
	v47 =	vand.u32 $0x3F, v39;
	[tilespmem:$0x12A60] =	vst v46  }
0x55: {  	v49 =	vshra.s32 v42, $0x6;
	[tilespmem:$0x12DA0] =	vst v47  }
0x56: {  	v50 =	vand.u32 $0x3F, v42;
	v51 =	vld [tilespmem:$0xF6A0];
	[tilespmem:$0x12A70] =	vst v49  }
0x57: {  	[tilespmem:$0x12DB0] =	vst v50;
	v52 =	vshra.s32 v45, $0x6  }
0x58: {  	v54 =	vld [tilespmem:$0xF6B0];
	v53 =	vand.u32 $0x3F, v45;
	[tilespmem:$0x12A80] =	vst v52  }
0x59: {  	v55 =	vshra.s32 v48, $0x6;
	[tilespmem:$0x12DC0] =	vst v53  }
0x5a: {  	v57 =	vld [tilespmem:$0xF6C0];
	v56 =	vand.u32 $0x3F, v48;
	[tilespmem:$0x12A90] =	vst v55  }
0x5b: {  	[tilespmem:$0x12DD0] =	vst v56;
	v58 =	vshra.s32 v51, $0x6  }
0x5c: {  	v59 =	vand.u32 $0x3F, v51;
	[tilespmem:$0x12AA0] =	vst v58  }
0x5d: {  	v60 =	vshra.s32 v54, $0x6;
	[tilespmem:$0x12DE0] =	vst v59  }
.Ltmp2:
0x5e: {  	v61 =	vand.u32 $0x3F, v54;
	[tilespmem:$0x12AB0] =	vst v60;
	(pc) =	sbr.rel .LBB2_2-.Ltmp2, $4  }
0x5f: {  	v62 =	vshra.s32 v57, $0x6;
	[tilespmem:$0x12DF0] =	vst v61  }
0x60: {  	v63 =	vand.u32 $0x3F, v57;
	[tilespmem:$0x12AC0] =	vst v62  }
0x61: {  	s29 =	simm.s32 $0xF7A0;
	s30 =	simm.s32 $0x0;
	[tilespmem:$0x12E00] =	vst v63  }
0x62: {  	[tilespmem:s16], [sflag:$0x2] =	stream.indirect.gather [spmem:s1], $0x40, s15, s14, $0xb8;
	[tilespmem:$0x1FFB0] =	vst v63  }
.LBB2_4:
0x63: {  	_ =	swait.ge [sflag:s22], $0x6800  }
0x64: {  	s31 =	sadd.s32 s30, s9;
	s30 =	sadd.s32 $0x1A00, s30;
	[sflag:s22] =	ssyncset.done $0x0  }
0x65: {  	p1 =	sne.s32 s30, $0x1A000;
	[sflag:s22] =	ssyncadd.s32 $0xFFFF9800  }
0x66: {  	[tilespmem:s18], [sflag:$0x5] =	stream.indirect.gather.add.f32 [spmem:s2], $0x40, s23, s14, $0xb8;
	[tilespmem:$0x1FFB0] =	vst v63  }
.Ltmp3:
0x67: {  	_ = 	snop;
	(pc) =	sbr.rel @!p1 .LBB2_5-.Ltmp3, $4  }
0x68: {  	_ =	swait.ge [sflag:s24], $0x6800  }
0x69: {  	[sflag:s24] =	ssyncset.done $0x0  }
0x6a: {  	s29 =	sadd.s32 $0x340, s29;
	[sflag:s24] =	ssyncadd.s32 $0xFFFF9800  }
0x6b: {  	[hbm4b:s31+s3] =	stream.linear.scatter [tilespmem:s18], [sflag:$0x7], $0x6800, $0x38;
	[tilespmem:$0x1FFB0] =	vst v63  }
.LBB2_2:
0x6c: {  	v0 =	vld [tilespmem:s29+$0xFFFFFF30];
	_ =	sdelay $0x4  }
0x6d: {  	v1 =	vshra.s32 v0, $0x6  }
0x6e: {  	v0 =	vand.u32 $0x3F, v0;
	[tilespmem:$0x12AD0] =	vst v1  }
0x6f: {  	[tilespmem:$0x12E10] =	vst v0  }
0x70: {  	v0 =	vld [tilespmem:s29+$0xFFFFFF40];
	_ =	sdelay $0x4  }
0x71: {  	v39 =	vshra.s32 v0, $0x6  }
0x72: {  	v0 =	vand.u32 $0x3F, v0;
	[tilespmem:$0x12AE0] =	vst v39  }
0x73: {  	[tilespmem:$0x12E20] =	vst v0  }
0x74: {  	v0 =	vld [tilespmem:s29+$0xFFFFFF50];
	_ =	sdelay $0x4  }
0x75: {  	v40 =	vshra.s32 v0, $0x6  }
0x76: {  	v0 =	vand.u32 $0x3F, v0;
	[tilespmem:$0x12AF0] =	vst v40  }
0x77: {  	[tilespmem:$0x12E30] =	vst v0  }
0x78: {  	v0 =	vld [tilespmem:s29+$0xFFFFFF60];
	_ =	sdelay $0x4  }
0x79: {  	v41 =	vshra.s32 v0, $0x6  }
0x7a: {  	v0 =	vand.u32 $0x3F, v0;
	[tilespmem:$0x12B00] =	vst v41  }
0x7b: {  	[tilespmem:$0x12E40] =	vst v0  }
0x7c: {  	v0 =	vld [tilespmem:s29+$0xFFFFFF70];
	_ =	sdelay $0x4  }
0x7d: {  	v42 =	vshra.s32 v0, $0x6  }
0x7e: {  	v0 =	vand.u32 $0x3F, v0;
	[tilespmem:$0x12B10] =	vst v42  }
0x7f: {  	[tilespmem:$0x12E50] =	vst v0  }
0x80: {  	v0 =	vld [tilespmem:s29+$0xFFFFFF80];
	_ =	sdelay $0x4  }
0x81: {  	v43 =	vshra.s32 v0, $0x6  }
0x82: {  	v0 =	vand.u32 $0x3F, v0;
	[tilespmem:$0x12B20] =	vst v43  }
0x83: {  	[tilespmem:$0x12E60] =	vst v0  }
0x84: {  	v0 =	vld [tilespmem:s29+$0xFFFFFF90];
	_ =	sdelay $0x4  }
0x85: {  	v44 =	vshra.s32 v0, $0x6  }
0x86: {  	v0 =	vand.u32 $0x3F, v0;
	[tilespmem:$0x12B30] =	vst v44  }
0x87: {  	[tilespmem:$0x12E70] =	vst v0  }
0x88: {  	v0 =	vld [tilespmem:s29+$0xFFFFFFA0];
	_ =	sdelay $0x4  }
0x89: {  	v45 =	vshra.s32 v0, $0x6  }
0x8a: {  	v0 =	vand.u32 $0x3F, v0;
	[tilespmem:$0x12B40] =	vst v45  }
0x8b: {  	[tilespmem:$0x12E80] =	vst v0  }
0x8c: {  	v0 =	vld [tilespmem:s29+$0xFFFFFFB0];
	_ =	sdelay $0x4  }
0x8d: {  	v46 =	vshra.s32 v0, $0x6  }
0x8e: {  	v0 =	vand.u32 $0x3F, v0;
	[tilespmem:$0x12B50] =	vst v46  }
0x8f: {  	[tilespmem:$0x12E90] =	vst v0  }
0x90: {  	v0 =	vld [tilespmem:s29+$0xFFFFFFC0];
	_ =	sdelay $0x4  }
0x91: {  	v47 =	vshra.s32 v0, $0x6  }
0x92: {  	v0 =	vand.u32 $0x3F, v0;
	[tilespmem:$0x12B60] =	vst v47  }
0x93: {  	[tilespmem:$0x12EA0] =	vst v0  }
0x94: {  	v0 =	vld [tilespmem:s29+$0xFFFFFFD0];
	_ =	sdelay $0x4  }
0x95: {  	v48 =	vshra.s32 v0, $0x6  }
0x96: {  	v0 =	vand.u32 $0x3F, v0;
	[tilespmem:$0x12B70] =	vst v48  }
0x97: {  	[tilespmem:$0x12EB0] =	vst v0  }
0x98: {  	v0 =	vld [tilespmem:s29+$0xFFFFFFE0];
	_ =	sdelay $0x4  }
0x99: {  	v49 =	vshra.s32 v0, $0x6  }
0x9a: {  	v0 =	vand.u32 $0x3F, v0;
	[tilespmem:$0x12B80] =	vst v49  }
0x9b: {  	[tilespmem:$0x12EC0] =	vst v0  }
0x9c: {  	v0 =	vld [tilespmem:s29+$0xFFFFFFF0];
	_ =	sdelay $0x4  }
0x9d: {  	v50 =	vshra.s32 v0, $0x6  }
0x9e: {  	v0 =	vand.u32 $0x3F, v0;
	[tilespmem:$0x12B90] =	vst v50  }
0x9f: {  	[tilespmem:$0x12ED0] =	vst v0  }
0xa0: {  	v0 =	vld [tilespmem:s29+$0x0];
	_ =	sdelay $0x4  }
0xa1: {  	v51 =	vshra.s32 v0, $0x6  }
0xa2: {  	v0 =	vand.u32 $0x3F, v0;
	[tilespmem:$0x12BA0] =	vst v51  }
0xa3: {  	[tilespmem:$0x12EE0] =	vst v0  }
0xa4: {  	v0 =	vld [tilespmem:s29+$0x10];
	_ =	sdelay $0x4  }
0xa5: {  	v52 =	vshra.s32 v0, $0x6  }
0xa6: {  	v0 =	vand.u32 $0x3F, v0;
	[tilespmem:$0x12BB0] =	vst v52  }
0xa7: {  	[tilespmem:$0x12EF0] =	vst v0  }
0xa8: {  	v0 =	vld [tilespmem:s29+$0x20];
	_ =	sdelay $0x4  }
0xa9: {  	v53 =	vshra.s32 v0, $0x6  }
0xaa: {  	v0 =	vand.u32 $0x3F, v0;
	[tilespmem:$0x12BC0] =	vst v53  }
0xab: {  	[tilespmem:$0x12F00] =	vst v0  }
0xac: {  	v0 =	vld [tilespmem:s29+$0x30];
	_ =	sdelay $0x4  }
0xad: {  	v54 =	vshra.s32 v0, $0x6  }
0xae: {  	v0 =	vand.u32 $0x3F, v0;
	[tilespmem:$0x12BD0] =	vst v54  }
0xaf: {  	[tilespmem:$0x12F10] =	vst v0  }
0xb0: {  	v0 =	vld [tilespmem:s29+$0x40];
	_ =	sdelay $0x4  }
0xb1: {  	v55 =	vshra.s32 v0, $0x6  }
0xb2: {  	v0 =	vand.u32 $0x3F, v0;
	[tilespmem:$0x12BE0] =	vst v55  }
0xb3: {  	[tilespmem:$0x12F20] =	vst v0  }
0xb4: {  	v0 =	vld [tilespmem:s29+$0x50];
	_ =	sdelay $0x4  }
0xb5: {  	v56 =	vshra.s32 v0, $0x6  }
0xb6: {  	v0 =	vand.u32 $0x3F, v0;
	[tilespmem:$0x12BF0] =	vst v56  }
0xb7: {  	[tilespmem:$0x12F30] =	vst v0  }
0xb8: {  	v0 =	vld [tilespmem:s29+$0x60];
	_ =	sdelay $0x4  }
0xb9: {  	v57 =	vshra.s32 v0, $0x6  }
0xba: {  	v0 =	vand.u32 $0x3F, v0;
	[tilespmem:$0x12C00] =	vst v57  }
0xbb: {  	[tilespmem:$0x12F40] =	vst v0  }
0xbc: {  	v0 =	vld [tilespmem:s29+$0x70];
	_ =	sdelay $0x4  }
0xbd: {  	v58 =	vshra.s32 v0, $0x6  }
0xbe: {  	v0 =	vand.u32 $0x3F, v0;
	[tilespmem:$0x12C10] =	vst v58  }
0xbf: {  	[tilespmem:$0x12F50] =	vst v0  }
0xc0: {  	v0 =	vld [tilespmem:s29+$0x80];
	_ =	sdelay $0x4  }
0xc1: {  	v59 =	vshra.s32 v0, $0x6  }
0xc2: {  	v0 =	vand.u32 $0x3F, v0;
	[tilespmem:$0x12C20] =	vst v59  }
0xc3: {  	[tilespmem:$0x12F60] =	vst v0  }
0xc4: {  	v0 =	vld [tilespmem:s29+$0x90];
	_ =	sdelay $0x4  }
0xc5: {  	v60 =	vshra.s32 v0, $0x6  }
0xc6: {  	v0 =	vand.u32 $0x3F, v0;
	[tilespmem:$0x12C30] =	vst v60  }
0xc7: {  	[tilespmem:$0x12F70] =	vst v0  }
0xc8: {  	v0 =	vld [tilespmem:s29+$0xA0];
	_ =	sdelay $0x4  }
0xc9: {  	v61 =	vshra.s32 v0, $0x6  }
0xca: {  	v0 =	vand.u32 $0x3F, v0;
	[tilespmem:$0x12C40] =	vst v61  }
0xcb: {  	[tilespmem:$0x12F80] =	vst v0  }
0xcc: {  	v0 =	vld [tilespmem:s29+$0xB0];
	_ =	sdelay $0x4  }
0xcd: {  	v62 =	vshra.s32 v0, $0x6  }
0xce: {  	v0 =	vand.u32 $0x3F, v0;
	[tilespmem:$0x12C50] =	vst v62  }
0xcf: {  	[tilespmem:$0x12F90] =	vst v0  }
0xd0: {  	v0 =	vld [tilespmem:s29+$0xC0];
	_ =	sdelay $0x4  }
0xd1: {  	v63 =	vshra.s32 v0, $0x6  }
0xd2: {  	p1 =	seq.s32 s30, $0x0;
	v0 =	vand.u32 $0x3F, v0;
	[tilespmem:$0x12C60] =	vst v63  }
0xd3: {  	s31 =	simm.s32 @!p1 $0x7;
	[tilespmem:$0x12FA0] =	vst v0  }
0xd4: {  	_ =	swait.ge @!p1 [sflag:s31], $0x6800  }
0xd5: {  	[sflag:s31] =	ssyncset.done @!p1 $0x0  }
0xd6: {  	[sflag:s31] =	ssyncadd.s32 @!p1 $0xFFFF9800  }
0xd7: {  	[tilespmem:s18], [sflag:$0x3] =	stream.indirect.gather [spmem:s1], $0x40, s17, s14, $0xb8;
	[tilespmem:$0x1FFB0] =	vst v63  }
0xd8: {  	_ =	swait.ge [sflag:s19], $0x6800  }
0xd9: {  	[sflag:s19] =	ssyncset.done $0x0  }
0xda: {  	p1 =	seq.s32 s30, $0x18600;
	[sflag:s19] =	ssyncadd.s32 $0xFFFF9800  }
0xdb: {  	[tilespmem:s16], [sflag:$0x4] =	stream.indirect.gather.add.f32 [spmem:s2], $0x40, s20, s14, $0xb8;
	[tilespmem:$0x1FFB0] =	vst v63  }
.Ltmp4:
0xdc: {  	_ = 	snop;
	(pc) =	sbr.rel @p1 .LBB2_4-.Ltmp4, $4  }
0xdd: {  	_ =	swait.ge [sflag:s21], $0x6800  }
0xde: {  	[sflag:s21] =	ssyncset.done $0x0  }
0xdf: {  	s31 =	sadd.s32 s30, s8;
	[sflag:s21] =	ssyncadd.s32 $0xFFFF9800  }
0xe0: {  	[hbm4b:s31+s3] =	stream.linear.scatter [tilespmem:s16], [sflag:$0x6], $0x6800, $0x38;
	[tilespmem:$0x1FFB0] =	vst v63  }
0xe1: {  	v0 =	vld [tilespmem:s29+$0xD0];
	_ =	sdelay $0x4  }
0xe2: {  	v1 =	vshra.s32 v0, $0x6  }
0xe3: {  	v0 =	vand.u32 $0x3F, v0;
	[tilespmem:$0x12930] =	vst v1  }
0xe4: {  	[tilespmem:$0x12C70] =	vst v0  }
0xe5: {  	v0 =	vld [tilespmem:s29+$0xE0];
	_ =	sdelay $0x4  }
0xe6: {  	v39 =	vshra.s32 v0, $0x6  }
0xe7: {  	v0 =	vand.u32 $0x3F, v0;
	[tilespmem:$0x12940] =	vst v39  }
0xe8: {  	[tilespmem:$0x12C80] =	vst v0  }
0xe9: {  	v0 =	vld [tilespmem:s29+$0xF0];
	_ =	sdelay $0x4  }
0xea: {  	v40 =	vshra.s32 v0, $0x6  }
0xeb: {  	v0 =	vand.u32 $0x3F, v0;
	[tilespmem:$0x12950] =	vst v40  }
0xec: {  	[tilespmem:$0x12C90] =	vst v0  }
0xed: {  	v0 =	vld [tilespmem:s29+$0x100];
	_ =	sdelay $0x4  }
0xee: {  	v41 =	vshra.s32 v0, $0x6  }
0xef: {  	v0 =	vand.u32 $0x3F, v0;
	[tilespmem:$0x12960] =	vst v41  }
0xf0: {  	[tilespmem:$0x12CA0] =	vst v0  }
0xf1: {  	v0 =	vld [tilespmem:s29+$0x110];
	_ =	sdelay $0x4  }
0xf2: {  	v42 =	vshra.s32 v0, $0x6  }
0xf3: {  	v0 =	vand.u32 $0x3F, v0;
	[tilespmem:$0x12970] =	vst v42  }
0xf4: {  	[tilespmem:$0x12CB0] =	vst v0  }
0xf5: {  	v0 =	vld [tilespmem:s29+$0x120];
	_ =	sdelay $0x4  }
0xf6: {  	v43 =	vshra.s32 v0, $0x6  }
0xf7: {  	v0 =	vand.u32 $0x3F, v0;
	[tilespmem:$0x12980] =	vst v43  }
0xf8: {  	[tilespmem:$0x12CC0] =	vst v0  }
0xf9: {  	v0 =	vld [tilespmem:s29+$0x130];
	_ =	sdelay $0x4  }
0xfa: {  	v44 =	vshra.s32 v0, $0x6  }
0xfb: {  	v0 =	vand.u32 $0x3F, v0;
	[tilespmem:$0x12990] =	vst v44  }
0xfc: {  	[tilespmem:$0x12CD0] =	vst v0  }
0xfd: {  	v0 =	vld [tilespmem:s29+$0x140];
	_ =	sdelay $0x4  }
0xfe: {  	v45 =	vshra.s32 v0, $0x6  }
0xff: {  	v0 =	vand.u32 $0x3F, v0;
	[tilespmem:$0x129A0] =	vst v45  }
0x100: {  	[tilespmem:$0x12CE0] =	vst v0  }
0x101: {  	v0 =	vld [tilespmem:s29+$0x150];
	_ =	sdelay $0x4  }
0x102: {  	v46 =	vshra.s32 v0, $0x6  }
0x103: {  	v0 =	vand.u32 $0x3F, v0;
	[tilespmem:$0x129B0] =	vst v46  }
0x104: {  	[tilespmem:$0x12CF0] =	vst v0  }
0x105: {  	v0 =	vld [tilespmem:s29+$0x160];
	_ =	sdelay $0x4  }
0x106: {  	v47 =	vshra.s32 v0, $0x6  }
0x107: {  	v0 =	vand.u32 $0x3F, v0;
	[tilespmem:$0x129C0] =	vst v47  }
0x108: {  	[tilespmem:$0x12D00] =	vst v0  }
0x109: {  	v0 =	vld [tilespmem:s29+$0x170];
	_ =	sdelay $0x4  }
0x10a: {  	v48 =	vshra.s32 v0, $0x6  }
0x10b: {  	v0 =	vand.u32 $0x3F, v0;
	[tilespmem:$0x129D0] =	vst v48  }
0x10c: {  	[tilespmem:$0x12D10] =	vst v0  }
0x10d: {  	v0 =	vld [tilespmem:s29+$0x180];
	_ =	sdelay $0x4  }
0x10e: {  	v49 =	vshra.s32 v0, $0x6  }
0x10f: {  	v0 =	vand.u32 $0x3F, v0;
	[tilespmem:$0x129E0] =	vst v49  }
0x110: {  	[tilespmem:$0x12D20] =	vst v0  }
0x111: {  	v0 =	vld [tilespmem:s29+$0x190];
	_ =	sdelay $0x4  }
0x112: {  	v50 =	vshra.s32 v0, $0x6  }
0x113: {  	v0 =	vand.u32 $0x3F, v0;
	[tilespmem:$0x129F0] =	vst v50  }
0x114: {  	[tilespmem:$0x12D30] =	vst v0  }
0x115: {  	v0 =	vld [tilespmem:s29+$0x1A0];
	_ =	sdelay $0x4  }
0x116: {  	v51 =	vshra.s32 v0, $0x6  }
0x117: {  	v0 =	vand.u32 $0x3F, v0;
	[tilespmem:$0x12A00] =	vst v51  }
0x118: {  	[tilespmem:$0x12D40] =	vst v0  }
0x119: {  	v0 =	vld [tilespmem:s29+$0x1B0];
	_ =	sdelay $0x4  }
0x11a: {  	v52 =	vshra.s32 v0, $0x6  }
0x11b: {  	v0 =	vand.u32 $0x3F, v0;
	[tilespmem:$0x12A10] =	vst v52  }
0x11c: {  	[tilespmem:$0x12D50] =	vst v0  }
0x11d: {  	v0 =	vld [tilespmem:s29+$0x1C0];
	_ =	sdelay $0x4  }
0x11e: {  	v53 =	vshra.s32 v0, $0x6  }
0x11f: {  	v0 =	vand.u32 $0x3F, v0;
	[tilespmem:$0x12A20] =	vst v53  }
0x120: {  	[tilespmem:$0x12D60] =	vst v0  }
0x121: {  	v0 =	vld [tilespmem:s29+$0x1D0];
	_ =	sdelay $0x4  }
0x122: {  	v54 =	vshra.s32 v0, $0x6  }
0x123: {  	v0 =	vand.u32 $0x3F, v0;
	[tilespmem:$0x12A30] =	vst v54  }
0x124: {  	[tilespmem:$0x12D70] =	vst v0  }
0x125: {  	v0 =	vld [tilespmem:s29+$0x1E0];
	_ =	sdelay $0x4  }
0x126: {  	v55 =	vshra.s32 v0, $0x6  }
0x127: {  	v0 =	vand.u32 $0x3F, v0;
	[tilespmem:$0x12A40] =	vst v55  }
0x128: {  	[tilespmem:$0x12D80] =	vst v0  }
0x129: {  	v0 =	vld [tilespmem:s29+$0x1F0];
	_ =	sdelay $0x4  }
0x12a: {  	v56 =	vshra.s32 v0, $0x6  }
0x12b: {  	v0 =	vand.u32 $0x3F, v0;
	[tilespmem:$0x12A50] =	vst v56  }
0x12c: {  	[tilespmem:$0x12D90] =	vst v0  }
0x12d: {  	v0 =	vld [tilespmem:s29+$0x200];
	_ =	sdelay $0x4  }
0x12e: {  	v57 =	vshra.s32 v0, $0x6  }
0x12f: {  	v0 =	vand.u32 $0x3F, v0;
	[tilespmem:$0x12A60] =	vst v57  }
0x130: {  	[tilespmem:$0x12DA0] =	vst v0  }
0x131: {  	v0 =	vld [tilespmem:s29+$0x210];
	_ =	sdelay $0x4  }
0x132: {  	v58 =	vshra.s32 v0, $0x6  }
0x133: {  	v0 =	vand.u32 $0x3F, v0;
	[tilespmem:$0x12A70] =	vst v58  }
0x134: {  	[tilespmem:$0x12DB0] =	vst v0  }
0x135: {  	v0 =	vld [tilespmem:s29+$0x220];
	_ =	sdelay $0x4  }
0x136: {  	v59 =	vshra.s32 v0, $0x6  }
0x137: {  	v0 =	vand.u32 $0x3F, v0;
	[tilespmem:$0x12A80] =	vst v59  }
0x138: {  	[tilespmem:$0x12DC0] =	vst v0  }
0x139: {  	v0 =	vld [tilespmem:s29+$0x230];
	_ =	sdelay $0x4  }
0x13a: {  	v60 =	vshra.s32 v0, $0x6  }
0x13b: {  	v0 =	vand.u32 $0x3F, v0;
	[tilespmem:$0x12A90] =	vst v60  }
0x13c: {  	[tilespmem:$0x12DD0] =	vst v0  }
0x13d: {  	v0 =	vld [tilespmem:s29+$0x240];
	_ =	sdelay $0x4  }
0x13e: {  	v61 =	vshra.s32 v0, $0x6  }
0x13f: {  	v0 =	vand.u32 $0x3F, v0;
	[tilespmem:$0x12AA0] =	vst v61  }
0x140: {  	[tilespmem:$0x12DE0] =	vst v0  }
0x141: {  	v0 =	vld [tilespmem:s29+$0x250];
	_ =	sdelay $0x4  }
0x142: {  	v62 =	vshra.s32 v0, $0x6  }
0x143: {  	v0 =	vand.u32 $0x3F, v0;
	[tilespmem:$0x12AB0] =	vst v62  }
0x144: {  	[tilespmem:$0x12DF0] =	vst v0  }
0x145: {  	v0 =	vld [tilespmem:s29+$0x260];
	_ =	sdelay $0x4  }
0x146: {  	v63 =	vshra.s32 v0, $0x6  }
0x147: {  	v0 =	vand.u32 $0x3F, v0;
	[tilespmem:$0x12AC0] =	vst v63  }
.Ltmp5:
0x148: {  	[tilespmem:$0x12E00] =	vst v0;
	(pc) =	sbr.rel .LBB2_4-.Ltmp5, $4  }
0x149: {  	_ =	swait.ge [sflag:s25], $0x6800  }
0x14a: {  	[sflag:s25] =	ssyncset.done $0x0  }
0x14b: {  	[sflag:s25] =	ssyncadd.s32 $0xFFFF9800  }
0x14c: {  	[tilespmem:s16], [sflag:$0x2] =	stream.indirect.gather [spmem:s1], $0x40, s15, s14, $0xb8;
	[tilespmem:$0x1FFB0] =	vst v63  }
.LBB2_6:
0x14d: {  	_ =	sfence.sel $0x180000  }
0x14e: {  	[bflag:$0x0] =	sbarrier.arrive $0xFFFF  }
0x14f: {  	_ =	strace $0x90000047  }
0x150: {  	s0 =	sadd.s32 @!p0 $0x100000, s0;
	[bflag:$0x2] =	sbarrier.arrive $0xFFFF  }
0x151: {  	[sflag:s0] =	ssyncadd.tile.s32 @!p0 $0x1;
	_ =	shalt  }
.Lfunc_end2:
_tile_overlayer_lowered:
.L_overlay_start_2:
0x152: {  	(tag) =	ssettag $0x2  }
0x153: {  	s0 =	rddreg [dreg:$0x0];
	s2 =	stileid.u32  }
0x154: {  	s1 =	rddreg [dreg:$0x1];
	p0 =	sne.s32 s2, $0x0  }
0x155: {  	s3 =	rddreg [dreg:$0x2];
	[bflag:$0x3] =	sbarrier.arrive $0xFFFF;
	s2 =	simm.s32 @!p0 $0x1C08  }
0x156: {  	[timem:s3], [sflag:s2] =	dma.local @!p0 [hbm:s0], s1  }
0x157: {  	s0 =	simm.s32 @!p0 $0x8  }
0x158: {  	_ =	swait.ge @!p0 [sflag:s0], s1  }
0x159: {  	s1 =	ssub.s32 @!p0 $0x0, s1;
	[sflag:s0] =	ssyncset.done @!p0 $0x0  }
0x15a: {  	[sflag:s0] =	ssyncadd.s32 @!p0 s1  }
0x15b: {  	[bflag:$0x3] =	sbarrier.arrive $0xFFFF  }
0x15c: {  	_ =	shalt  }

// kernel: sparse-core-data-format-call.cloned.1.call-start
scs
called_computation_lowered:
.L_overlay_start_0:
0x0: {  	s2 =	sld [smem:$0x3FD9]  }
0x1: {  	s3 =	sld [smem:$0x3FFE];
	_ =	sdelay $0x1  }
0x2: {  	s1 =	srdreg.scid  }
0x3: {  	s0 =	sand.u32 $0x1, s1  }
0x4: {  	s18 =	sshll.u32 s0, $0xA;
	s2 =	sadd.s32 s3, s2  }
0x5: {  	s2 =	sadd.s32 s2, s18  }
0x6: {  	[smem:$0x3FC5] =	sst s2  }
0x7: {  	_ = 	snop  }
0x8: {  	s2 =	sld [smem:$0x3FD0];
	(tm) =	ssettm $0x1  }
0x9: {  	s19 =	sld [smem:$0x3FFB];
	_ =	sdelay $0x3  }
0xa: {  	_ =	strace s19  }
0xb: {  	s3 =	sld [smem:$0x3FFC];
	_ =	sdelay $0x3  }
0xc: {  	_ =	strace s3  }
0xd: {  	s3 =	sld [smem:$0x3FFD];
	_ =	sdelay $0x3  }
0xe: {  	_ =	strace s3  }
0xf: {  	_ =	strace $0x8FFFFFFF  }
0x10: {  	s20 =	sld [smem:$0x3FDB];
	_ =	sdelay $0x1  }
0x11: {  	s4 =	simm.s32 $_scs_section_size  }
0x12: {  	s5 =	simm.s32 $_size__tile_overlayer_lowered;
	s6 =	simm.s32 $_tile_overlayer_lowered  }
0x13: {  	s23 =	simm.s32 $0x1BFF;
	s22 =	sshll.u32 s6, $0x1;
	s3 =	sadd.s32 s4, s20  }
0x14: {  	s7 =	simm.s32 $0x0;
	s21 =	sshll.u32 s5, $0x1;
	s5 =	sadd.s32 s22, s3  }
0x15: {  	[timem:s7], [sflag:s23] =	dma.local [hbm:s5], s21  }
0x16: {  	_ =	swait.ge [sflag:s23], s21  }
0x17: {  	s4 =	ssub.s32 $0x0, s21;
	[sflag:s23] =	ssyncset.done $0x0  }
0x18: {  	[sflag:s23] =	ssyncadd.s32 s4;
	_ =	sdelay $0x1  }
0x19: {  	s24 =	simm.s32 $0x1B8B  }
0x1a: {  	_ =	swait.ge [sflag:s24], $0x1  }
0x1b: {  	[sflag:s24] =	ssyncset.done $0x0  }
0x1c: {  	s26 =	simm.s32 $0x1B8E;
	s25 =	sld [smem:$0x3FFE];
	[sflag:s24] =	ssyncadd.s32 $0xFFFFFFFF  }
0x1d: {  	s27 =	simm.s32 $execute0_lowered;
	[smem:$0x3FD2] =	sst s26  }
0x1e: {  	s5 =	sshll.u32 s27, $0x1;
	_ =	strace $0x80000049;
	[dreg:$0x1] =	wrdreg $0xFFFFFFFF  }
0x1f: {  	s28 =	simm.s32 $_size_execute0_lowered;
	s3 =	sadd.s32 s3, s5;
	[dreg:$0x0] =	wrdreg $0x0  }
0x20: {  	s5 =	sshll.u32 s28, $0x1;
	[dreg:$0x2] =	wrdreg s3  }
0x21: {  	[dreg:$0x3] =	wrdreg s5  }
0x22: {  	[dreg:$0x4] =	wrdreg $0xC0  }
0x23: {  	_ =	task [dreg:s7], $0x5FFFF  }
0x24: {  	[dreg:$0x1] =	wrdreg $0xFFFFFFFF  }
0x25: {  	[dreg:$0x0] =	wrdreg $0x60  }
0x26: {  	[dreg:$0x2] =	wrdreg s25  }
0x27: {  	[dreg:$0x3] =	wrdreg s2  }
0x28: {  	[dreg:$0x4] =	wrdreg $0x9  }
0x29: {  	_ =	task.clear_ibuf [dreg:s7], $0x5FFFF;
	_ =	strace $0x90000049  }
0x2a: {  	s29 =	simm.s32 $0x9;
	_ =	strace $0x8000004B  }
0x2b: {  	_ =	swait.ge [sflag:s29], $0x1  }
0x2c: {  	[sflag:s29] =	ssyncadd.s32 $0xFFFFFFFF  }
0x2d: {  	_ =	strace $0x9000004B  }
0x2e: {  	_ =	sfence  }
0x2f: {  	s30 =	sld [smem:$0x0];
	_ =	sdelay $0x2  }
0x30: {  	s31 =	sshll.u32 s1, $0xD;
	s1 =	sshrl.u32 s1, $0x2  }
0x31: {  	s3 =	sand.u32 $0x4000, s31;
	s1 =	sadd.s32 s1, s30  }
0x32: {  	s0 =	sor.u32 s3, s0;
	s1 =	sshll.u32 s1, $0x11  }
0x33: {  	s0 =	sor.u32 s1, s0  }
0x34: {  	s0 =	sadd.s32 $0x8F2B, s0  }
0x35: {  	[sflag:s0] =	ssyncadd.remote.s32 $0x1  }
0x36: {  	_ =	sfence.sel $0xFFFF  }
0x37: {  	[dreg:$0x0] =	wrdreg $0xFFFFFFFF;
	(pc) =	sbr.abs _section_cstart, $3  }
0x38: {  	[dreg:$0x1] =	wrdreg $0xFFFFFFFF  }
0x39: {  	_ =	task.clear_ibuf [dreg:s7], $0x2FFFF;
	_ =	strace $0x9FFFFFFF  }
0x3a: {  	(tm) =	ssettm $0x7FFFFFFF  }
0x3b: {  	_ =	shalt  }
tec
execute0_lowered:
.L_overlay_start_1:
0x0: {  	(tag) =	ssettag $0x1  }
0x1: {  	s0 =	srdreg.scid  }
0x2: {  	s1 =	sshll.u32 s0, $0x4  }
0x3: {  	s4 =	rddreg [dreg:$0x0];
	s0 =	stileid.u32;
	s1 =	sand.u32 $0x10, s1  }
0x4: {  	s2 =	rddreg [dreg:$0x1];
	s7 =	simm.s32 $0x1;
	s1 =	sor.u32 s0, s1  }
0x5: {  	s8 =	simm.s32 $0x2;
	s11 =	simm.s32 $0x0;
	s3 =	sshll.u32 s1, $0x7  }
0x6: {  	s10 =	simm.s32 $0x0;
	s4 =	sadd.s32 $0x800, s4;
	s6 =	ssub.s32 $0x68000, s3  }
.Ltmp0:
0x7: {  	s1 =	rddreg [dreg:$0x2];
	s5 =	sand.u32 $0xF80, s6;
	(pc) =	sbr.rel .LBB1_1-.Ltmp0, $4  }
0x8: {  	_ =	strace $0x8000004A;
	s9 =	smov.u32 s3;
	p0 =	sne.s32 s5, $0x0  }
0x9: {  	s6 =	sshrl.u32 s6, $0xC;
	s5 =	simm.s32 $0x1;
	s7 =	simm.s32 @!p0 $0x0  }
0xa: {  	[sflag:s5] =	ssyncpa.u1 $0x0;
	p0 =	por $0x0, $0x0;
	s6 =	sadd.s32 s7, s6  }
0xb: {  	[sflag:s8] =	ssyncpa.u1 $0x0;
	s8 =	simm.s32 $0x340000;
	s7 =	sadd.s32 $0x1, s6  }
.LBB1_4:
0xc: {  	s14 =	sshll.u32 s11, $0x3  }
0xd: {  	s30 =	sand.u32 $0x7F, s11;
	s15 =	sand.u32 $0xFFFFFC00, s14  }
0xe: {  	s11 =	sor.u32 s30, s15  }
0xf: {  	s15 =	smulhi.u32 $0x4EC4EC4F, s11  }
0x10: {  	s14 =	smulhi.u32 $0x4EC4EC4F, s14  }
0x11: {  	s15 =	sshrl.u32 s15, $0x11  }
0x12: {  	s14 =	sshrl.u32 s14, $0x11;
	s15 =	smul.u32 $0x68000, s15  }
0x13: {  	s14 =	sand.u32 $0x3F, s14  }
0x14: {  	s14 =	smul.u32 $0xD000, s14;
	s11 =	ssub.s32 s11, s15  }
0x15: {  	[tilespmem:s13+$0x810 ss:$0x81] =	vst.msk $0xffff, v2;
	s15 =	sand.u32 $0x7, s11  }
0x16: {  	[tilespmem:s13+$0x1020 ss:$0x81] =	vst.msk $0xffff, v0;
	s14 =	sadd.s32 s2, s14;
	s11 =	sshrl.u32 s11, $0x3;
	s15 =	sshll.u32 s15, $0x12  }
0x17: {  	[tilespmem:s13+$0x0 ss:$0x81] =	vst.msk $0xffff, v1;
	s11 =	sadd.s32 s11, s14;
	s31 =	sor.u32 $0x400, s15  }
0x18: {  	[hbm4b:s11+s31] =	stream.strided.scatter [tilespmem:s12], [sflag:$0x2], $0x2000, s8, s31, $0x20;
	[tilespmem:$0x8080] =	vst v63  }
.LBB1_5:
0x19: {  	s13 =	sadd.s32 $0x1000, s9  }
0x1a: {  	p2 =	sgt.s32 s13, $0x67FFF  }
0x1b: {  	s13 =	smov.u32 @p2 s3;
	p2 =	sne.s32 s10, s7  }
.Ltmp1:
0x1c: {  	p1 =	slt.u32 s10, $0x2;
	(pc) =	sbr.rel @!p2 .LBB1_6-.Ltmp1, $4  }
0x1d: {  	s12 =	simm.s32 @!p1 $0x2  }
0x1e: {  	s14 =	sadd.s32 $0x1, s10;
	_ =	swait.ge @!p1 [sflag:s12], $0x2000  }
0x1f: {  	s11 =	smov.u32 s9;
	p0 =	por !p0, !p0;
	[sflag:s12] =	ssyncset.done @!p1 $0x0  }
0x20: {  	s10 =	smov.u32 s14;
	s9 =	smov.u32 s13;
	[sflag:s12] =	ssyncadd.s32 @!p1 $0xFFFFE000  }
.LBB1_1:
0x21: {  	p1 =	sge.u32 s10, s6  }
0x22: {  	s12 =	sand.u32 @!p1 $0x1FFFFFF, s9  }
0x23: {  	s13 =	smulhi.u32 @!p1 $0x2762763, s12;
	_ =	sdelay $0x1  }
0x24: {  	s13 =	sshrl.u32 @!p1 s13, $0xC  }
0x25: {  	s13 =	smul.u32 @!p1 $0x68000, s13;
	_ =	sdelay $0x1  }
0x26: {  	s31 =	sadd.s32 $0xFFFFFFFF, s10;
	s14 =	sxor.u32 @!p1 $0xFFFFFFFF, s10;
	s12 =	ssub.s32 @!p1 s12, s13  }
0x27: {  	s15 =	simm.s32 @!p1 $0x80;
	s14 =	sshll.u32 @!p1 s14, $0xD;
	s12 =	sshll.u32 @!p1 s12, $0x4  }
0x28: {  	s13 =	sand.u32 @!p1 $0x2000, s14;
	s14 =	simm.s32 @!p1 $0x40;
	s12 =	sadd.s32 @!p1 s4, s12  }
0x29: {  	[tilespmem:s13], [sflag:$0x1] =	stream.strided.gather @!p1 [hbm4b:s12+s14], $0x2000, s15, s14, $0x38;
	[tilespmem:$0x8080] =	vst v63  }
0x2a: {  	p1 =	sge.u32 s31, s6  }
.Ltmp2:
0x2b: {  	_ = 	snop;
	(pc) =	sbr.rel @p1 .LBB1_5-.Ltmp2, $1  }
0x2c: {  	_ =	sdelay $0x3  }
0x2d: {  	s12 =	simm.s32 $0x1  }
0x2e: {  	_ =	swait.ge [sflag:s5], $0x2000;
	s12 =	simm.s32 @!p0 $0x0  }
0x2f: {  	[sflag:s5] =	ssyncset.done $0x0;
	s13 =	sshll.u32 s12, $0xD  }
0x30: {  	[sflag:s5] =	ssyncadd.s32 $0xFFFFE000;
	s16 =	sor.u32 $0x20, s13  }
0x31: {  	s12 =	smul.u32 $0x8100, s12;
	v3 =	vld [tilespmem:s16+$0x10]  }
0x32: {  	s30 =	sand.u32 $0x1, s10;
	v2 =	vld [tilespmem:s16+$0xFFFFFFF0]  }
0x33: {  	s13 =	smul.u32 $0x8100, s30;
	s12 =	sshrl.u32 s12, $0x2;
	v0 =	vld [tilespmem:s16+$0x0]  }
0x34: {  	v1 =	vld [tilespmem:s16+$0xFFFFFFE0];
	s14 =	sor.u32 $0x4000, s12  }
0x35: {  	s31 =	sshrl.u32 s13, $0x2;
	s13 =	sadd.s32 $0x0, s14  }
0x36: {  	s15 =	simm.s32 $0x4;
	s16 =	sadd.s32 $0x40, s16;
	s12 =	sor.u32 $0x4000, s31;
	[tilespmem:s13+$0x1830 ss:$0x81] =	vst.msk $0xffff, v3  }
.LBB1_3:
0x37: {  	v3 =	vld [tilespmem:s16+$0x10];
	p1 =	sne.s32 s15, $0x1FC;
	[tilespmem:s13+$0x810 ss:$0x81] =	vst.msk $0xffff, v2;
	s17 =	smov.u32 s15;
	s15 =	sadd.s32 $0x4, s15  }
.Ltmp3:
0x38: {  	v2 =	vld [tilespmem:s16+$0xFFFFFFF0];
	[tilespmem:s13+$0x1020 ss:$0x81] =	vst.msk $0xffff, v0;
	(pc) =	sbr.rel @p1 .LBB1_3-.Ltmp3, $4  }
0x39: {  	v0 =	vld [tilespmem:s16+$0x0];
	[tilespmem:s13+$0x0 ss:$0x81] =	vst.msk $0xffff, v1  }
0x3a: {  	s13 =	sshra.s32 s17, $0x2;
	v1 =	vld [tilespmem:s16+$0xFFFFFFE0]  }
0x3b: {  	s13 =	sadd.s32 s13, s14  }
0x3c: {  	s16 =	sadd.s32 $0x40, s16;
	[tilespmem:s13+$0x1830 ss:$0x81] =	vst.msk $0xffff, v3  }
.Ltmp4:
0x3d: {  	_ = 	snop;
	(pc) =	sbr.rel .LBB1_4-.Ltmp4, $1  }
0x3e: {  	_ =	sdelay $0x3  }
.LBB1_6:
0x3f: {  	_ =	sfence.sel $0x180000  }
0x40: {  	s2 =	simm.s32 $0x1;
	[bflag:$0x0] =	sbarrier.arrive $0xFFFF  }
0x41: {  	s31 =	simm.s32 $0x2;
	[sflag:s2] =	ssyncpa.u1 $0x1  }
0x42: {  	[sflag:s31] =	ssyncpa.u1 $0x1  }
0x43: {  	p0 =	sne.s32 s0, $0x0;
	_ =	strace $0x9000004A  }
0x44: {  	s0 =	sadd.s32 @!p0 $0x100000, s1;
	[bflag:$0x2] =	sbarrier.arrive $0xFFFF  }
0x45: {  	[sflag:s0] =	ssyncadd.tile.s32 @!p0 $0x1;
	_ =	shalt  }
.Lfunc_end1:
_tile_overlayer_lowered:
.L_overlay_start_2:
0x46: {  	(tag) =	ssettag $0x2  }
0x47: {  	s0 =	rddreg [dreg:$0x0];
	s2 =	stileid.u32  }
0x48: {  	s1 =	rddreg [dreg:$0x1];
	p0 =	sne.s32 s2, $0x0  }
0x49: {  	s3 =	rddreg [dreg:$0x2];
	[bflag:$0x3] =	sbarrier.arrive $0xFFFF;
	s2 =	simm.s32 @!p0 $0x1C01  }
0x4a: {  	[timem:s3], [sflag:s2] =	dma.local @!p0 [hbm:s0], s1  }
0x4b: {  	s0 =	simm.s32 @!p0 $0x1  }
0x4c: {  	_ =	swait.ge @!p0 [sflag:s0], s1  }
0x4d: {  	s1 =	ssub.s32 @!p0 $0x0, s1;
	[sflag:s0] =	ssyncset.done @!p0 $0x0  }
0x4e: {  	[sflag:s0] =	ssyncadd.s32 @!p0 s1  }
0x4f: {  	[bflag:$0x3] =	sbarrier.arrive $0xFFFF  }
0x50: {  	_ =	shalt  }

</sc_bundles>
